<compile_context>
chip_gen: v7x
topology: tpu7x:2x2x1
jax: 0.10.2.dev20260603
libtpu: 0.0.44.dev20260713+nightly
codegen_flags: <defaults>
</compile_context>

<pallas_src>
import functools

import jax
import jax.numpy as jnp
from jax import lax
from jax.experimental import pallas as pl
from jax.experimental.pallas import tpu as pltpu, tpu_sc as plsc

N = 10000
C = 256
E = 160000
CH = 128
NC, NS, K = 2, 16, 128
NW = NC * NS

NB_A = 40
EPA = NW * NB_A * K
G16 = 16

NB = 79
EPT = NB * K
EPC = NS * EPT

NROWS = 10240
ZR = NROWS // NS
OR = 632
NPAD = NS * OR

_mesh = plsc.VectorSubcoreMesh(core_axis_name="c", subcore_axis_name="s")


def _sc_deg_body(dsta_hbm, z_hbm, ones_hbm, dega_hbm, degb_hbm,
                 idx_v, ones_v, deg_sh, sem):
    cid = lax.axis_index("c")
    sid = lax.axis_index("s")
    wid = cid * NS + sid
    pltpu.sync_copy(dsta_hbm.at[wid], idx_v)
    pltpu.sync_copy(ones_hbm, ones_v)
    pltpu.sync_copy(z_hbm, deg_sh.at[pl.ds(sid * ZR, ZR)])
    plsc.subcore_barrier()

    def chunk(g, carry):
        def fire(j, c):
            pltpu.async_copy(ones_v, deg_sh.at[idx_v.at[g * 8 + j]], sem,
                             add=True)
            return c

        lax.fori_loop(0, 8, fire, 0)

        def drain(j, c):
            pltpu.make_async_copy(ones_v, deg_sh.at[idx_v.at[g * 8 + j]],
                                  sem).wait()
            return c

        lax.fori_loop(0, 8, drain, 0)
        return carry

    lax.fori_loop(0, NB_A // 8, chunk, 0)
    plsc.subcore_barrier()

    @pl.when(cid == 0)
    def _():
        pltpu.sync_copy(deg_sh.at[pl.ds(sid * OR, OR)],
                        dega_hbm.at[pl.ds(sid * OR, OR)])

    @pl.when(cid == 1)
    def _():
        pltpu.sync_copy(deg_sh.at[pl.ds(sid * OR, OR)],
                        degb_hbm.at[pl.ds(sid * OR, OR)])


_sc_deg = functools.partial(
    pl.kernel,
    out_type=[jax.ShapeDtypeStruct((NPAD, CH), jnp.float32)] * 2,
    mesh=_mesh,
    scratch_types=[
        pltpu.VMEM((NB_A, K), jnp.int32),
        pltpu.VMEM((K, CH), jnp.float32),
        pltpu.VMEM_SHARED((NROWS, CH), jnp.float32),
        pltpu.SemaphoreType.DMA,
    ],
)(_sc_deg_body)


def _sc_agg_body(tbl0_hbm, tbl1_hbm, srct_hbm, dstt_hbm, z_hbm,
                 agg0_hbm, agg1_hbm, src_v, dst_v, rows_v, agg_sh, sem):
    cid = lax.axis_index("c")
    sid = lax.axis_index("s")
    pltpu.sync_copy(srct_hbm.at[sid], src_v)
    pltpu.sync_copy(dstt_hbm.at[sid], dst_v)
    pltpu.sync_copy(z_hbm, agg_sh.at[pl.ds(sid * ZR, ZR)])
    plsc.subcore_barrier()

    def step(b, carry):
        @pl.when(cid == 0)
        def _():
            pltpu.async_copy(tbl0_hbm.at[src_v.at[b]], rows_v, sem).wait()

        @pl.when(cid == 1)
        def _():
            pltpu.async_copy(tbl1_hbm.at[src_v.at[b]], rows_v, sem).wait()

        pltpu.sync_copy(rows_v, agg_sh.at[dst_v.at[b]], add=True)
        return carry

    lax.fori_loop(0, NB, step, 0)
    plsc.subcore_barrier()

    @pl.when(cid == 0)
    def _():
        pltpu.sync_copy(agg_sh.at[pl.ds(sid * OR, OR)],
                        agg0_hbm.at[pl.ds(sid * OR, OR)])

    @pl.when(cid == 1)
    def _():
        pltpu.sync_copy(agg_sh.at[pl.ds(sid * OR, OR)],
                        agg1_hbm.at[pl.ds(sid * OR, OR)])


_sc_agg = functools.partial(
    pl.kernel,
    out_type=[jax.ShapeDtypeStruct((NPAD, CH), jnp.float32)] * 2,
    mesh=_mesh,
    scratch_types=[
        pltpu.VMEM((NB, K), jnp.int32),
        pltpu.VMEM((NB, K), jnp.int32),
        pltpu.VMEM((K, CH), jnp.float32),
        pltpu.VMEM_SHARED((NROWS, CH), jnp.float32),
        pltpu.SemaphoreType.DMA,
    ],
)(_sc_agg_body)


R = 1000
GRID = N // R
_f32 = jnp.float32
_bf16 = jnp.bfloat16


def _bdot(a, b):
    return jnp.dot(a, b, preferred_element_type=_f32)


def _tc_prep_body(x_ref, da_ref, db_ref, w_ref, b_ref, o0, o1, od, oxr):
    deg = da_ref[...][:, :G16] + db_ref[...][:, :G16]
    dinv = lax.rsqrt(jnp.maximum(deg, 1.0))
    dv = dinv[:, 0:1]
    xx = x_ref[...]
    o0[...] = xx[:, :CH] * dv
    o1[...] = xx[:, CH:] * dv
    od[...] = dinv
    oxr[...] = _bdot(xx, w_ref[...]) + b_ref[...]


def _tc_prep(x, dega, degb, RW0, Rb0):
    return pl.pallas_call(
        _tc_prep_body,
        grid=(GRID,),
        in_specs=[
            pl.BlockSpec((R, C), lambda i: (i, 0)),
            pl.BlockSpec((R, CH), lambda i: (i, 0)),
            pl.BlockSpec((R, CH), lambda i: (i, 0)),
            pl.BlockSpec((C, C), lambda i: (0, 0)),
            pl.BlockSpec((1, C), lambda i: (0, 0)),
        ],
        out_specs=[
            pl.BlockSpec((R, CH), lambda i: (i, 0)),
            pl.BlockSpec((R, CH), lambda i: (i, 0)),
            pl.BlockSpec((R, G16), lambda i: (i, 0)),
            pl.BlockSpec((R, C), lambda i: (i, 0)),
        ],
        out_shape=[
            jax.ShapeDtypeStruct((N, CH), _f32),
            jax.ShapeDtypeStruct((N, CH), _f32),
            jax.ShapeDtypeStruct((N, G16), _f32),
            jax.ShapeDtypeStruct((N, C), _f32),
        ],
    )(x, dega, degb, RW0, Rb0.reshape(1, C))


def _tc_layer_body(a0_ref, a1_ref, dv_ref, xr_ref, w_ref, b_ref,
                   rw_ref, rb_ref, oh0, oh1, oxr):
    dv = dv_ref[...][:, 0:1]
    a0 = a0_ref[...] * dv
    a1 = a1_ref[...] * dv
    w = w_ref[...]
    t = _bdot(a0, w[:CH, :]) + _bdot(a1, w[CH:, :]) + b_ref[...]
    h = jax.nn.relu(jax.nn.relu(t) + xr_ref[...])
    oh0[...] = h[:, :CH] * dv
    oh1[...] = h[:, CH:] * dv
    oxr[...] = _bdot(h, rw_ref[...]) + rb_ref[...]


def _tc_layer(a0, a1, dinv16, xr0, W0, b0, RW1, Rb1):
    return pl.pallas_call(
        _tc_layer_body,
        grid=(GRID,),
        in_specs=[
            pl.BlockSpec((R, CH), lambda i: (i, 0)),
            pl.BlockSpec((R, CH), lambda i: (i, 0)),
            pl.BlockSpec((R, G16), lambda i: (i, 0)),
            pl.BlockSpec((R, C), lambda i: (i, 0)),
            pl.BlockSpec((C, C), lambda i: (0, 0)),
            pl.BlockSpec((1, C), lambda i: (0, 0)),
            pl.BlockSpec((C, C), lambda i: (0, 0)),
            pl.BlockSpec((1, C), lambda i: (0, 0)),
        ],
        out_specs=[
            pl.BlockSpec((R, CH), lambda i: (i, 0)),
            pl.BlockSpec((R, CH), lambda i: (i, 0)),
            pl.BlockSpec((R, C), lambda i: (i, 0)),
        ],
        out_shape=[
            jax.ShapeDtypeStruct((N, CH), _f32),
            jax.ShapeDtypeStruct((N, CH), _f32),
            jax.ShapeDtypeStruct((N, C), _f32),
        ],
    )(a0, a1, dinv16, xr0, W0, b0.reshape(1, C), RW1, Rb1.reshape(1, C))


def _tc_out_body(a0_ref, a1_ref, dv_ref, xr_ref, w_ref, b_ref, out_ref):
    dv = dv_ref[...][:, 0:1]
    a0 = a0_ref[...] * dv
    a1 = a1_ref[...] * dv
    w = w_ref[...]
    t = _bdot(a0, w[:CH, :]) + _bdot(a1, w[CH:, :]) + b_ref[...]
    out_ref[...] = jax.nn.relu(t) + xr_ref[...]


def _tc_out(a0, a1, dinv16, xr1, W1, b1):
    return pl.pallas_call(
        _tc_out_body,
        grid=(GRID,),
        in_specs=[
            pl.BlockSpec((R, CH), lambda i: (i, 0)),
            pl.BlockSpec((R, CH), lambda i: (i, 0)),
            pl.BlockSpec((R, G16), lambda i: (i, 0)),
            pl.BlockSpec((R, C), lambda i: (i, 0)),
            pl.BlockSpec((C, C), lambda i: (0, 0)),
            pl.BlockSpec((1, C), lambda i: (0, 0)),
        ],
        out_specs=pl.BlockSpec((R, C), lambda i: (i, 0)),
        out_shape=jax.ShapeDtypeStruct((N, C), _f32),
    )(a0, a1, dinv16, xr1, W1, b1.reshape(1, C))


def kernel(x, edge_index_K, W0, b0, W1, b1, RW0, Rb0, RW1, Rb1):
    src = edge_index_K[0]
    dst = edge_index_K[1]

    dsta = jnp.concatenate(
        [dst, jnp.full((EPA - E,), N, jnp.int32)]).reshape(NW, NB_A, K)
    srct = jnp.concatenate(
        [src, jnp.zeros((EPC - E,), jnp.int32)]).reshape(NS, NB, K)
    dstt = jnp.concatenate(
        [dst, jnp.full((EPC - E,), N, jnp.int32)]).reshape(NS, NB, K)

    ones128 = jnp.ones((K, CH), _f32)
    z128 = jnp.zeros((ZR, CH), _f32)

    dega, degb = _sc_deg(dsta, z128, ones128)
    xs0h0, xs0h1, dinv16, xr0 = _tc_prep(x, dega, degb, RW0, Rb0)
    agg0h0, agg0h1 = _sc_agg(xs0h0, xs0h1, srct, dstt, z128)
    hsh0, hsh1, xr1 = _tc_layer(agg0h0, agg0h1, dinv16, xr0, W0, b0, RW1, Rb1)
    agg1h0, agg1h1 = _sc_agg(hsh0, hsh1, srct, dstt, z128)
    return _tc_out(agg1h0, agg1h1, dinv16, xr1, W1, b1)

# --- scband reference (transcript-rebuilt; emitter-appended) ---
"""Pipeline reference for scband-gcnmodel-8280696946867 (READ-ONLY COPY).

The authoritative reference and input builder live on the scoring server;
editing this copy changes nothing except your own understanding.
"""

import jax, jax.numpy as jnp
import numpy as np

N = 10000
E = 160000
C = 256


def setup_inputs(seed: int = 0) -> dict:
    key = jax.random.key(seed)
    ks = jax.random.split(key, 12)
    x = jax.random.normal(ks[0], (N, C), dtype=jnp.float32)
    edge_index_K = jax.random.randint(ks[1], (2, E), 0, N, dtype=jnp.int32)
    s = 1.0 / np.sqrt(C)
    W0 = jax.random.uniform(ks[2], (C, C), dtype=jnp.float32, minval=-s, maxval=s)
    b0 = jax.random.uniform(ks[3], (C,), dtype=jnp.float32, minval=-s, maxval=s)
    W1 = jax.random.uniform(ks[4], (C, C), dtype=jnp.float32, minval=-s, maxval=s)
    b1 = jax.random.uniform(ks[5], (C,), dtype=jnp.float32, minval=-s, maxval=s)
    RW0 = jax.random.uniform(ks[6], (C, C), dtype=jnp.float32, minval=-s, maxval=s)
    Rb0 = jax.random.uniform(ks[7], (C,), dtype=jnp.float32, minval=-s, maxval=s)
    RW1 = jax.random.uniform(ks[8], (C, C), dtype=jnp.float32, minval=-s, maxval=s)
    Rb1 = jax.random.uniform(ks[9], (C,), dtype=jnp.float32, minval=-s, maxval=s)
    return {"x": x, "edge_index_K": edge_index_K, "W0": W0, "b0": b0, "W1": W1, "b1": b1,
            "RW0": RW0, "Rb0": Rb0, "RW1": RW1, "Rb1": Rb1}


def _gcn_layer(x, edge_index, W, b):
    # single-kernel GCN with symmetric ('sm') degree normalization, 'add' aggregation, relu non-linearity
    src = edge_index[0]
    dst = edge_index[1]
    n = x.shape[0]
    deg = jnp.zeros((n,), dtype=x.dtype).at[dst].add(1.0)
    deg = jnp.maximum(deg, 1.0)
    dinv = jax.lax.rsqrt(deg)
    norm = dinv[src] * dinv[dst]
    msg = x[src] * norm[:, None]
    agg = jnp.zeros_like(x).at[dst].add(msg)
    out = agg @ W + b
    return jax.nn.relu(out)


def reference(x, edge_index_K, W0, b0, W1, b1, RW0, Rb0, RW1, Rb1):
    # layer 0 (residual_hop=1: residual linear added, then non_linear since not last layer)
    h = _gcn_layer(x, edge_index_K, W0, b0)
    xr = x @ RW0 + Rb0
    h = jax.nn.relu(h + xr)
    # layer 1 (last layer: residual added without non_linear)
    h1 = _gcn_layer(h, edge_index_K, W1, b1)
    xr1 = h @ RW1 + Rb1
    out = h1 + xr1
    # final_type='none' -> identity; pred_on='node'
    return out

if __name__ == "__main__":
    import jax
    _d = setup_inputs()
    print(jax.jit(kernel)(*tuple(_d.values())))

</pallas_src>

<mosaic_0001>
#map = affine_map<(d0, d1) -> (0, 0, 0)>
#map1 = affine_map<(d0, d1) -> (0, 0)>
module attributes {stable_mosaic.version = 14 : i64} {
  func.func @_sc_deg_body(%arg0: i32, %arg1: i32, %arg2: memref<32x40x128xi32, #tpu.memory_space<hbm>>, %arg3: memref<640x128xf32, #tpu.memory_space<hbm>>, %arg4: memref<128x128xf32, #tpu.memory_space<hbm>>, %arg5: memref<10112x128xf32, #tpu.memory_space<hbm>>, %arg6: memref<10112x128xf32, #tpu.memory_space<hbm>>, %arg7: memref<40x128xi32, #tpu.memory_space<vmem>>, %arg8: memref<128x128xf32, #tpu.memory_space<vmem>>, %arg9: memref<10240x128xf32, #tpu.memory_space<vmem_shared>>, %arg10: memref<!tpu.dma_semaphore, #tpu.memory_space<semaphore_mem>>) attributes {dimension_semantics = [#tpu.dimension_semantics<core_parallel>, #tpu.dimension_semantics<subcore_parallel>], iteration_bounds = array<i64: 2, 16>, scalar_prefetch = 0 : i64, scratch_operands = 4 : i64, tpu.core_type = #tpu.core_type<sc_vector_subcore>, window_params = [{transform_indices = #map}, {transform_indices = #map1}, {transform_indices = #map1}, {transform_indices = #map1}, {transform_indices = #map1}]} {
    %mul3A = arith.constant 16 : i32
    %mul3A_0 = arith.muli %arg0, %mul3A : i32
    %add3A = arith.addi %mul3A_0, %arg1 : i32
    "tpu.region"() ({
      %run_scoped3A = tpu.sem_alloc : memref<!tpu.dma_semaphore, #tpu.memory_space<semaphore_mem>>
      %dma_start3A = arith.constant 0 : i32
      %dma_start3A_16 = arith.constant 0 : i32
      %dma_start3A_17 = tpu.memref_slice %arg2[%add3A, %dma_start3A, %dma_start3A_16] : memref<32x40x128xi32, #tpu.memory_space<hbm>> -> memref<1x40x128xi32, #tpu.memory_space<hbm>>
      %dma_start3A_18 = tpu.memref_squeeze %dma_start3A_17 : memref<1x40x128xi32, #tpu.memory_space<hbm>> -> memref<40x128xi32, #tpu.memory_space<hbm>>
      %dma_start3A_19 = arith.constant 0 : i32
      %dma_start3A_20 = arith.constant 0 : i32
      %dma_start3A_21 = tpu.memref_slice %arg2[%add3A, %dma_start3A_19, %dma_start3A_20] : memref<32x40x128xi32, #tpu.memory_space<hbm>> -> memref<1x40x128xi32, #tpu.memory_space<hbm>>
      %dma_start3A_22 = tpu.memref_squeeze %dma_start3A_21 : memref<1x40x128xi32, #tpu.memory_space<hbm>> -> memref<40x128xi32, #tpu.memory_space<hbm>>
      tpu.enqueue_dma source(%dma_start3A_22 : memref<40x128xi32, #tpu.memory_space<hbm>>) target(%arg7 : memref<40x128xi32, #tpu.memory_space<vmem>>) target_semaphore(%run_scoped3A : memref<!tpu.dma_semaphore, #tpu.memory_space<semaphore_mem>>)
      %dma_wait3A = arith.constant 0 : i32
      %dma_wait3A_23 = arith.constant 0 : i32
      %dma_wait3A_24 = tpu.memref_slice %arg2[%add3A, %dma_wait3A, %dma_wait3A_23] : memref<32x40x128xi32, #tpu.memory_space<hbm>> -> memref<1x40x128xi32, #tpu.memory_space<hbm>>
      %dma_wait3A_25 = tpu.memref_squeeze %dma_wait3A_24 : memref<1x40x128xi32, #tpu.memory_space<hbm>> -> memref<40x128xi32, #tpu.memory_space<hbm>>
      %dma_wait3A_26 = arith.constant 0 : i32
      %dma_wait3A_27 = arith.constant 0 : i32
      %dma_wait3A_28 = tpu.memref_slice %arg2[%add3A, %dma_wait3A_26, %dma_wait3A_27] : memref<32x40x128xi32, #tpu.memory_space<hbm>> -> memref<1x40x128xi32, #tpu.memory_space<hbm>>
      %dma_wait3A_29 = tpu.memref_squeeze %dma_wait3A_28 : memref<1x40x128xi32, #tpu.memory_space<hbm>> -> memref<40x128xi32, #tpu.memory_space<hbm>>
      tpu.wait_dma2 semaphore(%run_scoped3A : memref<!tpu.dma_semaphore, #tpu.memory_space<semaphore_mem>>) src(%dma_wait3A_29 : memref<40x128xi32, #tpu.memory_space<hbm>>) dst(%arg7 : memref<40x128xi32, #tpu.memory_space<vmem>>)
      tpu.yield
    }) : () -> ()
    "tpu.region"() ({
      %run_scoped3A = tpu.sem_alloc : memref<!tpu.dma_semaphore, #tpu.memory_space<semaphore_mem>>
      tpu.enqueue_dma source(%arg4 : memref<128x128xf32, #tpu.memory_space<hbm>>) target(%arg8 : memref<128x128xf32, #tpu.memory_space<vmem>>) target_semaphore(%run_scoped3A : memref<!tpu.dma_semaphore, #tpu.memory_space<semaphore_mem>>)
      tpu.wait_dma2 semaphore(%run_scoped3A : memref<!tpu.dma_semaphore, #tpu.memory_space<semaphore_mem>>) src(%arg4 : memref<128x128xf32, #tpu.memory_space<hbm>>) dst(%arg8 : memref<128x128xf32, #tpu.memory_space<vmem>>)
      tpu.yield
    }) : () -> ()
    %mul3A_1 = arith.constant 640 : i32
    %mul3A_2 = arith.muli %arg1, %mul3A_1 : i32
    "tpu.region"() ({
      %run_scoped3A = tpu.sem_alloc : memref<!tpu.dma_semaphore, #tpu.memory_space<semaphore_mem>>
      %dma_start3A = arith.constant 0 : i32
      %dma_start3A_16 = tpu.memref_slice %arg9[%mul3A_2, %dma_start3A] : memref<10240x128xf32, #tpu.memory_space<vmem_shared>> -> memref<640x128xf32, #tpu.memory_space<vmem_shared>>
      tpu.enqueue_dma source(%arg3 : memref<640x128xf32, #tpu.memory_space<hbm>>) target(%dma_start3A_16 : memref<640x128xf32, #tpu.memory_space<vmem_shared>>) target_semaphore(%run_scoped3A : memref<!tpu.dma_semaphore, #tpu.memory_space<semaphore_mem>>)
      %dma_wait3A = arith.constant 0 : i32
      %dma_wait3A_17 = tpu.memref_slice %arg9[%mul3A_2, %dma_wait3A] : memref<10240x128xf32, #tpu.memory_space<vmem_shared>> -> memref<640x128xf32, #tpu.memory_space<vmem_shared>>
      tpu.wait_dma2 semaphore(%run_scoped3A : memref<!tpu.dma_semaphore, #tpu.memory_space<semaphore_mem>>) src(%arg3 : memref<640x128xf32, #tpu.memory_space<hbm>>) dst(%dma_wait3A_17 : memref<640x128xf32, #tpu.memory_space<vmem_shared>>)
      tpu.yield
    }) : () -> ()
    %barrier3A = arith.constant 0 : index
    tpu.barrier barrier_id(%barrier3A)
    %scan3A = arith.constant 0 : i32
    %scan3A_3 = arith.constant 0 : i32
    %scan3A_4 = arith.constant 5 : i32
    %scan3A_5 = arith.addi %scan3A_3, %scan3A_4 : i32
    %scan3A_6 = arith.constant 1 : i32
    scf.for %scan3A_16 = %scan3A_3 to %scan3A_5 step %scan3A_6  : i32 {
      %scan3A_17 = arith.constant 0 : i32
      %scan3A_18 = arith.constant 0 : i32
      %scan3A_19 = arith.constant 8 : i32
      %scan3A_20 = arith.addi %scan3A_18, %scan3A_19 : i32
      %scan3A_21 = arith.constant 1 : i32
      scf.for %scan3A_29 = %scan3A_18 to %scan3A_20 step %scan3A_21  : i32 {
        %mul3A_30 = arith.constant 8 : i32
        %mul3A_31 = arith.muli %scan3A_16, %mul3A_30 : i32
        %add3A_32 = arith.addi %mul3A_31, %scan3A_29 : i32
        %dma_start3A = arith.constant 0 : i32
        %dma_start3A_33 = tpu.memref_slice %arg7[%add3A_32, %dma_start3A] : memref<40x128xi32, #tpu.memory_space<vmem>> -> memref<1x128xi32, #tpu.memory_space<vmem>>
        %dma_start3A_34 = tpu.memref_squeeze %dma_start3A_33 : memref<1x128xi32, #tpu.memory_space<vmem>> -> memref<128xi32, #tpu.memory_space<vmem>>
        %dma_start3A_35 = arith.constant 0 : i32
        %dma_start3A_36 = arith.constant 0 : i32
        %dma_start3A_37 = tpu.memref_slice %arg9[%dma_start3A_35, %dma_start3A_36] : memref<10240x128xf32, #tpu.memory_space<vmem_shared>> -> memref<10240x128xf32, #tpu.memory_space<vmem_shared>>
        tpu.enqueue_indirect_dma source(%arg8 : memref<128x128xf32, #tpu.memory_space<vmem>>) target(%dma_start3A_37 : memref<10240x128xf32, #tpu.memory_space<vmem_shared>>) offsets(%dma_start3A_34 : memref<128xi32, #tpu.memory_space<vmem>>) semaphore(%arg10 : memref<!tpu.dma_semaphore, #tpu.memory_space<semaphore_mem>>) {add = true}
      }
      %scan3A_22 = arith.constant 8 : i32
      %scan3A_23 = arith.constant 0 : i32
      %scan3A_24 = arith.constant 0 : i32
      %scan3A_25 = arith.constant 8 : i32
      %scan3A_26 = arith.addi %scan3A_24, %scan3A_25 : i32
      %scan3A_27 = arith.constant 1 : i32
      scf.for %scan3A_29 = %scan3A_24 to %scan3A_26 step %scan3A_27  : i32 {
        %mul3A_30 = arith.constant 8 : i32
        %mul3A_31 = arith.muli %scan3A_16, %mul3A_30 : i32
        %add3A_32 = arith.addi %mul3A_31, %scan3A_29 : i32
        %dma_wait3A = arith.constant 0 : i32
        %dma_wait3A_33 = tpu.memref_slice %arg7[%add3A_32, %dma_wait3A] : memref<40x128xi32, #tpu.memory_space<vmem>> -> memref<1x128xi32, #tpu.memory_space<vmem>>
        %dma_wait3A_34 = tpu.memref_squeeze %dma_wait3A_33 : memref<1x128xi32, #tpu.memory_space<vmem>> -> memref<128xi32, #tpu.memory_space<vmem>>
        %dma_wait3A_35 = arith.constant 0 : i32
        %dma_wait3A_36 = arith.constant 0 : i32
        %dma_wait3A_37 = tpu.memref_slice %arg9[%dma_wait3A_35, %dma_wait3A_36] : memref<10240x128xf32, #tpu.memory_space<vmem_shared>> -> memref<10240x128xf32, #tpu.memory_space<vmem_shared>>
        tpu.wait_indirect_dma semaphore(%arg10 : memref<!tpu.dma_semaphore, #tpu.memory_space<semaphore_mem>>) src(%arg8 : memref<128x128xf32, #tpu.memory_space<vmem>>) dst(%dma_wait3A_37 : memref<10240x128xf32, #tpu.memory_space<vmem_shared>>)
      }
      %scan3A_28 = arith.constant 8 : i32
    }
    %scan3A_7 = arith.constant 5 : i32
    %barrier3A_8 = arith.constant 0 : index
    tpu.barrier barrier_id(%barrier3A_8)
    %eq3A = arith.constant 0 : i32
    %eq3A_9 = arith.cmpi eq, %arg0, %eq3A : i32
    %convert_element_type3A = arith.extui %eq3A_9 : i1 to i32
    %cond3A = arith.constant 0 : i32
    %cond3A_10 = arith.cmpi ne, %convert_element_type3A, %cond3A : i32
    scf.if %cond3A_10 {
      %mul3A_16 = arith.constant 632 : i32
      %mul3A_17 = arith.muli %arg1, %mul3A_16 : i32
      %mul3A_18 = arith.constant 632 : i32
      %mul3A_19 = arith.muli %arg1, %mul3A_18 : i32
      "tpu.region"() ({
        %run_scoped3A = tpu.sem_alloc : memref<!tpu.dma_semaphore, #tpu.memory_space<semaphore_mem>>
        %dma_start3A = arith.constant 0 : i32
        %dma_start3A_20 = tpu.memref_slice %arg5[%mul3A_19, %dma_start3A] : memref<10112x128xf32, #tpu.memory_space<hbm>> -> memref<632x128xf32, #tpu.memory_space<hbm>>
        %dma_start3A_21 = arith.constant 0 : i32
        %dma_start3A_22 = tpu.memref_slice %arg9[%mul3A_17, %dma_start3A_21] : memref<10240x128xf32, #tpu.memory_space<vmem_shared>> -> memref<632x128xf32, #tpu.memory_space<vmem_shared>>
        tpu.enqueue_dma source(%dma_start3A_22 : memref<632x128xf32, #tpu.memory_space<vmem_shared>>) target(%dma_start3A_20 : memref<632x128xf32, #tpu.memory_space<hbm>>) target_semaphore(%run_scoped3A : memref<!tpu.dma_semaphore, #tpu.memory_space<semaphore_mem>>)
        %dma_wait3A = arith.constant 0 : i32
        %dma_wait3A_23 = tpu.memref_slice %arg5[%mul3A_19, %dma_wait3A] : memref<10112x128xf32, #tpu.memory_space<hbm>> -> memref<632x128xf32, #tpu.memory_space<hbm>>
        %dma_wait3A_24 = arith.constant 0 : i32
        %dma_wait3A_25 = tpu.memref_slice %arg9[%mul3A_17, %dma_wait3A_24] : memref<10240x128xf32, #tpu.memory_space<vmem_shared>> -> memref<632x128xf32, #tpu.memory_space<vmem_shared>>
        tpu.wait_dma2 semaphore(%run_scoped3A : memref<!tpu.dma_semaphore, #tpu.memory_space<semaphore_mem>>) src(%dma_wait3A_25 : memref<632x128xf32, #tpu.memory_space<vmem_shared>>) dst(%dma_wait3A_23 : memref<632x128xf32, #tpu.memory_space<hbm>>)
        tpu.yield
      }) : () -> ()
    } else {
    }
    %eq3A_11 = arith.constant 1 : i32
    %eq3A_12 = arith.cmpi eq, %arg0, %eq3A_11 : i32
    %convert_element_type3A_13 = arith.extui %eq3A_12 : i1 to i32
    %cond3A_14 = arith.constant 0 : i32
    %cond3A_15 = arith.cmpi ne, %convert_element_type3A_13, %cond3A_14 : i32
    scf.if %cond3A_15 {
      %mul3A_16 = arith.constant 632 : i32
      %mul3A_17 = arith.muli %arg1, %mul3A_16 : i32
      %mul3A_18 = arith.constant 632 : i32
      %mul3A_19 = arith.muli %arg1, %mul3A_18 : i32
      "tpu.region"() ({
        %run_scoped3A = tpu.sem_alloc : memref<!tpu.dma_semaphore, #tpu.memory_space<semaphore_mem>>
        %dma_start3A = arith.constant 0 : i32
        %dma_start3A_20 = tpu.memref_slice %arg6[%mul3A_19, %dma_start3A] : memref<10112x128xf32, #tpu.memory_space<hbm>> -> memref<632x128xf32, #tpu.memory_space<hbm>>
        %dma_start3A_21 = arith.constant 0 : i32
        %dma_start3A_22 = tpu.memref_slice %arg9[%mul3A_17, %dma_start3A_21] : memref<10240x128xf32, #tpu.memory_space<vmem_shared>> -> memref<632x128xf32, #tpu.memory_space<vmem_shared>>
        tpu.enqueue_dma source(%dma_start3A_22 : memref<632x128xf32, #tpu.memory_space<vmem_shared>>) target(%dma_start3A_20 : memref<632x128xf32, #tpu.memory_space<hbm>>) target_semaphore(%run_scoped3A : memref<!tpu.dma_semaphore, #tpu.memory_space<semaphore_mem>>)
        %dma_wait3A = arith.constant 0 : i32
        %dma_wait3A_23 = tpu.memref_slice %arg6[%mul3A_19, %dma_wait3A] : memref<10112x128xf32, #tpu.memory_space<hbm>> -> memref<632x128xf32, #tpu.memory_space<hbm>>
        %dma_wait3A_24 = arith.constant 0 : i32
        %dma_wait3A_25 = tpu.memref_slice %arg9[%mul3A_17, %dma_wait3A_24] : memref<10240x128xf32, #tpu.memory_space<vmem_shared>> -> memref<632x128xf32, #tpu.memory_space<vmem_shared>>
        tpu.wait_dma2 semaphore(%run_scoped3A : memref<!tpu.dma_semaphore, #tpu.memory_space<semaphore_mem>>) src(%dma_wait3A_25 : memref<632x128xf32, #tpu.memory_space<vmem_shared>>) dst(%dma_wait3A_23 : memref<632x128xf32, #tpu.memory_space<hbm>>)
        tpu.yield
      }) : () -> ()
    } else {
    }
    return
  }
}

#map = affine_map<(d0, d1) -> (0, 0)>
#map1 = affine_map<(d0, d1) -> (0, 0, 0)>
module attributes {stable_mosaic.version = 14 : i64} {
  func.func @_sc_agg_body(%arg0: i32, %arg1: i32, %arg2: memref<10000x128xf32, #tpu.memory_space<hbm>>, %arg3: memref<10000x128xf32, #tpu.memory_space<hbm>>, %arg4: memref<16x79x128xi32, #tpu.memory_space<hbm>>, %arg5: memref<16x79x128xi32, #tpu.memory_space<hbm>>, %arg6: memref<640x128xf32, #tpu.memory_space<hbm>>, %arg7: memref<10112x128xf32, #tpu.memory_space<hbm>>, %arg8: memref<10112x128xf32, #tpu.memory_space<hbm>>, %arg9: memref<79x128xi32, #tpu.memory_space<vmem>>, %arg10: memref<79x128xi32, #tpu.memory_space<vmem>>, %arg11: memref<128x128xf32, #tpu.memory_space<vmem>>, %arg12: memref<10240x128xf32, #tpu.memory_space<vmem_shared>>, %arg13: memref<!tpu.dma_semaphore, #tpu.memory_space<semaphore_mem>>) attributes {dimension_semantics = [#tpu.dimension_semantics<core_parallel>, #tpu.dimension_semantics<subcore_parallel>], iteration_bounds = array<i64: 2, 16>, scalar_prefetch = 0 : i64, scratch_operands = 5 : i64, tpu.core_type = #tpu.core_type<sc_vector_subcore>, window_params = [{transform_indices = #map}, {transform_indices = #map}, {transform_indices = #map1}, {transform_indices = #map1}, {transform_indices = #map}, {transform_indices = #map}, {transform_indices = #map}]} {
    "tpu.region"() ({
      %run_scoped3A = tpu.sem_alloc : memref<!tpu.dma_semaphore, #tpu.memory_space<semaphore_mem>>
      %dma_start3A = arith.constant 0 : i32
      %dma_start3A_14 = arith.constant 0 : i32
      %dma_start3A_15 = tpu.memref_slice %arg4[%arg1, %dma_start3A, %dma_start3A_14] : memref<16x79x128xi32, #tpu.memory_space<hbm>> -> memref<1x79x128xi32, #tpu.memory_space<hbm>>
      %dma_start3A_16 = tpu.memref_squeeze %dma_start3A_15 : memref<1x79x128xi32, #tpu.memory_space<hbm>> -> memref<79x128xi32, #tpu.memory_space<hbm>>
      %dma_start3A_17 = arith.constant 0 : i32
      %dma_start3A_18 = arith.constant 0 : i32
      %dma_start3A_19 = tpu.memref_slice %arg4[%arg1, %dma_start3A_17, %dma_start3A_18] : memref<16x79x128xi32, #tpu.memory_space<hbm>> -> memref<1x79x128xi32, #tpu.memory_space<hbm>>
      %dma_start3A_20 = tpu.memref_squeeze %dma_start3A_19 : memref<1x79x128xi32, #tpu.memory_space<hbm>> -> memref<79x128xi32, #tpu.memory_space<hbm>>
      tpu.enqueue_dma source(%dma_start3A_20 : memref<79x128xi32, #tpu.memory_space<hbm>>) target(%arg9 : memref<79x128xi32, #tpu.memory_space<vmem>>) target_semaphore(%run_scoped3A : memref<!tpu.dma_semaphore, #tpu.memory_space<semaphore_mem>>)
      %dma_wait3A = arith.constant 0 : i32
      %dma_wait3A_21 = arith.constant 0 : i32
      %dma_wait3A_22 = tpu.memref_slice %arg4[%arg1, %dma_wait3A, %dma_wait3A_21] : memref<16x79x128xi32, #tpu.memory_space<hbm>> -> memref<1x79x128xi32, #tpu.memory_space<hbm>>
      %dma_wait3A_23 = tpu.memref_squeeze %dma_wait3A_22 : memref<1x79x128xi32, #tpu.memory_space<hbm>> -> memref<79x128xi32, #tpu.memory_space<hbm>>
      %dma_wait3A_24 = arith.constant 0 : i32
      %dma_wait3A_25 = arith.constant 0 : i32
      %dma_wait3A_26 = tpu.memref_slice %arg4[%arg1, %dma_wait3A_24, %dma_wait3A_25] : memref<16x79x128xi32, #tpu.memory_space<hbm>> -> memref<1x79x128xi32, #tpu.memory_space<hbm>>
      %dma_wait3A_27 = tpu.memref_squeeze %dma_wait3A_26 : memref<1x79x128xi32, #tpu.memory_space<hbm>> -> memref<79x128xi32, #tpu.memory_space<hbm>>
      tpu.wait_dma2 semaphore(%run_scoped3A : memref<!tpu.dma_semaphore, #tpu.memory_space<semaphore_mem>>) src(%dma_wait3A_27 : memref<79x128xi32, #tpu.memory_space<hbm>>) dst(%arg9 : memref<79x128xi32, #tpu.memory_space<vmem>>)
      tpu.yield
    }) : () -> ()
    "tpu.region"() ({
      %run_scoped3A = tpu.sem_alloc : memref<!tpu.dma_semaphore, #tpu.memory_space<semaphore_mem>>
      %dma_start3A = arith.constant 0 : i32
      %dma_start3A_14 = arith.constant 0 : i32
      %dma_start3A_15 = tpu.memref_slice %arg5[%arg1, %dma_start3A, %dma_start3A_14] : memref<16x79x128xi32, #tpu.memory_space<hbm>> -> memref<1x79x128xi32, #tpu.memory_space<hbm>>
      %dma_start3A_16 = tpu.memref_squeeze %dma_start3A_15 : memref<1x79x128xi32, #tpu.memory_space<hbm>> -> memref<79x128xi32, #tpu.memory_space<hbm>>
      %dma_start3A_17 = arith.constant 0 : i32
      %dma_start3A_18 = arith.constant 0 : i32
      %dma_start3A_19 = tpu.memref_slice %arg5[%arg1, %dma_start3A_17, %dma_start3A_18] : memref<16x79x128xi32, #tpu.memory_space<hbm>> -> memref<1x79x128xi32, #tpu.memory_space<hbm>>
      %dma_start3A_20 = tpu.memref_squeeze %dma_start3A_19 : memref<1x79x128xi32, #tpu.memory_space<hbm>> -> memref<79x128xi32, #tpu.memory_space<hbm>>
      tpu.enqueue_dma source(%dma_start3A_20 : memref<79x128xi32, #tpu.memory_space<hbm>>) target(%arg10 : memref<79x128xi32, #tpu.memory_space<vmem>>) target_semaphore(%run_scoped3A : memref<!tpu.dma_semaphore, #tpu.memory_space<semaphore_mem>>)
      %dma_wait3A = arith.constant 0 : i32
      %dma_wait3A_21 = arith.constant 0 : i32
      %dma_wait3A_22 = tpu.memref_slice %arg5[%arg1, %dma_wait3A, %dma_wait3A_21] : memref<16x79x128xi32, #tpu.memory_space<hbm>> -> memref<1x79x128xi32, #tpu.memory_space<hbm>>
      %dma_wait3A_23 = tpu.memref_squeeze %dma_wait3A_22 : memref<1x79x128xi32, #tpu.memory_space<hbm>> -> memref<79x128xi32, #tpu.memory_space<hbm>>
      %dma_wait3A_24 = arith.constant 0 : i32
      %dma_wait3A_25 = arith.constant 0 : i32
      %dma_wait3A_26 = tpu.memref_slice %arg5[%arg1, %dma_wait3A_24, %dma_wait3A_25] : memref<16x79x128xi32, #tpu.memory_space<hbm>> -> memref<1x79x128xi32, #tpu.memory_space<hbm>>
      %dma_wait3A_27 = tpu.memref_squeeze %dma_wait3A_26 : memref<1x79x128xi32, #tpu.memory_space<hbm>> -> memref<79x128xi32, #tpu.memory_space<hbm>>
      tpu.wait_dma2 semaphore(%run_scoped3A : memref<!tpu.dma_semaphore, #tpu.memory_space<semaphore_mem>>) src(%dma_wait3A_27 : memref<79x128xi32, #tpu.memory_space<hbm>>) dst(%arg10 : memref<79x128xi32, #tpu.memory_space<vmem>>)
      tpu.yield
    }) : () -> ()
    %mul3A = arith.constant 640 : i32
    %mul3A_0 = arith.muli %arg1, %mul3A : i32
    "tpu.region"() ({
      %run_scoped3A = tpu.sem_alloc : memref<!tpu.dma_semaphore, #tpu.memory_space<semaphore_mem>>
      %dma_start3A = arith.constant 0 : i32
      %dma_start3A_14 = tpu.memref_slice %arg12[%mul3A_0, %dma_start3A] : memref<10240x128xf32, #tpu.memory_space<vmem_shared>> -> memref<640x128xf32, #tpu.memory_space<vmem_shared>>
      tpu.enqueue_dma source(%arg6 : memref<640x128xf32, #tpu.memory_space<hbm>>) target(%dma_start3A_14 : memref<640x128xf32, #tpu.memory_space<vmem_shared>>) target_semaphore(%run_scoped3A : memref<!tpu.dma_semaphore, #tpu.memory_space<semaphore_mem>>)
      %dma_wait3A = arith.constant 0 : i32
      %dma_wait3A_15 = tpu.memref_slice %arg12[%mul3A_0, %dma_wait3A] : memref<10240x128xf32, #tpu.memory_space<vmem_shared>> -> memref<640x128xf32, #tpu.memory_space<vmem_shared>>
      tpu.wait_dma2 semaphore(%run_scoped3A : memref<!tpu.dma_semaphore, #tpu.memory_space<semaphore_mem>>) src(%arg6 : memref<640x128xf32, #tpu.memory_space<hbm>>) dst(%dma_wait3A_15 : memref<640x128xf32, #tpu.memory_space<vmem_shared>>)
      tpu.yield
    }) : () -> ()
    %barrier3A = arith.constant 0 : index
    tpu.barrier barrier_id(%barrier3A)
    %scan3A = arith.constant 0 : i32
    %scan3A_1 = arith.constant 0 : i32
    %scan3A_2 = arith.constant 79 : i32
    %scan3A_3 = arith.addi %scan3A_1, %scan3A_2 : i32
    %scan3A_4 = arith.constant 1 : i32
    scf.for %scan3A_14 = %scan3A_1 to %scan3A_3 step %scan3A_4  : i32 {
      %eq3A_15 = arith.constant 0 : i32
      %eq3A_16 = arith.cmpi eq, %arg0, %eq3A_15 : i32
      %convert_element_type3A_17 = arith.extui %eq3A_16 : i1 to i32
      %cond3A_18 = arith.constant 0 : i32
      %cond3A_19 = arith.cmpi ne, %convert_element_type3A_17, %cond3A_18 : i32
      scf.if %cond3A_19 {
        %dma_start3A = arith.constant 0 : i32
        %dma_start3A_25 = tpu.memref_slice %arg9[%scan3A_14, %dma_start3A] : memref<79x128xi32, #tpu.memory_space<vmem>> -> memref<1x128xi32, #tpu.memory_space<vmem>>
        %dma_start3A_26 = tpu.memref_squeeze %dma_start3A_25 : memref<1x128xi32, #tpu.memory_space<vmem>> -> memref<128xi32, #tpu.memory_space<vmem>>
        %dma_start3A_27 = arith.constant 0 : i32
        %dma_start3A_28 = arith.constant 0 : i32
        %dma_start3A_29 = tpu.memref_slice %arg2[%dma_start3A_27, %dma_start3A_28] : memref<10000x128xf32, #tpu.memory_space<hbm>> -> memref<10000x128xf32, #tpu.memory_space<hbm>>
        tpu.enqueue_indirect_dma source(%dma_start3A_29 : memref<10000x128xf32, #tpu.memory_space<hbm>>) target(%arg11 : memref<128x128xf32, #tpu.memory_space<vmem>>) offsets(%dma_start3A_26 : memref<128xi32, #tpu.memory_space<vmem>>) semaphore(%arg13 : memref<!tpu.dma_semaphore, #tpu.memory_space<semaphore_mem>>)
        %dma_wait3A = arith.constant 0 : i32
        %dma_wait3A_30 = tpu.memref_slice %arg9[%scan3A_14, %dma_wait3A] : memref<79x128xi32, #tpu.memory_space<vmem>> -> memref<1x128xi32, #tpu.memory_space<vmem>>
        %dma_wait3A_31 = tpu.memref_squeeze %dma_wait3A_30 : memref<1x128xi32, #tpu.memory_space<vmem>> -> memref<128xi32, #tpu.memory_space<vmem>>
        %dma_wait3A_32 = arith.constant 0 : i32
        %dma_wait3A_33 = arith.constant 0 : i32
        %dma_wait3A_34 = tpu.memref_slice %arg2[%dma_wait3A_32, %dma_wait3A_33] : memref<10000x128xf32, #tpu.memory_space<hbm>> -> memref<10000x128xf32, #tpu.memory_space<hbm>>
        tpu.wait_indirect_dma semaphore(%arg13 : memref<!tpu.dma_semaphore, #tpu.memory_space<semaphore_mem>>) src(%dma_wait3A_34 : memref<10000x128xf32, #tpu.memory_space<hbm>>) dst(%arg11 : memref<128x128xf32, #tpu.memory_space<vmem>>)
      } else {
      }
      %eq3A_20 = arith.constant 1 : i32
      %eq3A_21 = arith.cmpi eq, %arg0, %eq3A_20 : i32
      %convert_element_type3A_22 = arith.extui %eq3A_21 : i1 to i32
      %cond3A_23 = arith.constant 0 : i32
      %cond3A_24 = arith.cmpi ne, %convert_element_type3A_22, %cond3A_23 : i32
      scf.if %cond3A_24 {
        %dma_start3A = arith.constant 0 : i32
        %dma_start3A_25 = tpu.memref_slice %arg9[%scan3A_14, %dma_start3A] : memref<79x128xi32, #tpu.memory_space<vmem>> -> memref<1x128xi32, #tpu.memory_space<vmem>>
        %dma_start3A_26 = tpu.memref_squeeze %dma_start3A_25 : memref<1x128xi32, #tpu.memory_space<vmem>> -> memref<128xi32, #tpu.memory_space<vmem>>
        %dma_start3A_27 = arith.constant 0 : i32
        %dma_start3A_28 = arith.constant 0 : i32
        %dma_start3A_29 = tpu.memref_slice %arg3[%dma_start3A_27, %dma_start3A_28] : memref<10000x128xf32, #tpu.memory_space<hbm>> -> memref<10000x128xf32, #tpu.memory_space<hbm>>
        tpu.enqueue_indirect_dma source(%dma_start3A_29 : memref<10000x128xf32, #tpu.memory_space<hbm>>) target(%arg11 : memref<128x128xf32, #tpu.memory_space<vmem>>) offsets(%dma_start3A_26 : memref<128xi32, #tpu.memory_space<vmem>>) semaphore(%arg13 : memref<!tpu.dma_semaphore, #tpu.memory_space<semaphore_mem>>)
        %dma_wait3A = arith.constant 0 : i32
        %dma_wait3A_30 = tpu.memref_slice %arg9[%scan3A_14, %dma_wait3A] : memref<79x128xi32, #tpu.memory_space<vmem>> -> memref<1x128xi32, #tpu.memory_space<vmem>>
        %dma_wait3A_31 = tpu.memref_squeeze %dma_wait3A_30 : memref<1x128xi32, #tpu.memory_space<vmem>> -> memref<128xi32, #tpu.memory_space<vmem>>
        %dma_wait3A_32 = arith.constant 0 : i32
        %dma_wait3A_33 = arith.constant 0 : i32
        %dma_wait3A_34 = tpu.memref_slice %arg3[%dma_wait3A_32, %dma_wait3A_33] : memref<10000x128xf32, #tpu.memory_space<hbm>> -> memref<10000x128xf32, #tpu.memory_space<hbm>>
        tpu.wait_indirect_dma semaphore(%arg13 : memref<!tpu.dma_semaphore, #tpu.memory_space<semaphore_mem>>) src(%dma_wait3A_34 : memref<10000x128xf32, #tpu.memory_space<hbm>>) dst(%arg11 : memref<128x128xf32, #tpu.memory_space<vmem>>)
      } else {
      }
      "tpu.region"() ({
        %run_scoped3A = tpu.sem_alloc : memref<!tpu.dma_semaphore, #tpu.memory_space<semaphore_mem>>
        %dma_start3A = arith.constant 0 : i32
        %dma_start3A_25 = tpu.memref_slice %arg10[%scan3A_14, %dma_start3A] : memref<79x128xi32, #tpu.memory_space<vmem>> -> memref<1x128xi32, #tpu.memory_space<vmem>>
        %dma_start3A_26 = tpu.memref_squeeze %dma_start3A_25 : memref<1x128xi32, #tpu.memory_space<vmem>> -> memref<128xi32, #tpu.memory_space<vmem>>
        %dma_start3A_27 = arith.constant 0 : i32
        %dma_start3A_28 = arith.constant 0 : i32
        %dma_start3A_29 = tpu.memref_slice %arg12[%dma_start3A_27, %dma_start3A_28] : memref<10240x128xf32, #tpu.memory_space<vmem_shared>> -> memref<10240x128xf32, #tpu.memory_space<vmem_shared>>
        tpu.enqueue_indirect_dma source(%arg11 : memref<128x128xf32, #tpu.memory_space<vmem>>) target(%dma_start3A_29 : memref<10240x128xf32, #tpu.memory_space<vmem_shared>>) offsets(%dma_start3A_26 : memref<128xi32, #tpu.memory_space<vmem>>) semaphore(%run_scoped3A : memref<!tpu.dma_semaphore, #tpu.memory_space<semaphore_mem>>) {add = true}
        %dma_wait3A = arith.constant 0 : i32
        %dma_wait3A_30 = tpu.memref_slice %arg10[%scan3A_14, %dma_wait3A] : memref<79x128xi32, #tpu.memory_space<vmem>> -> memref<1x128xi32, #tpu.memory_space<vmem>>
        %dma_wait3A_31 = tpu.memref_squeeze %dma_wait3A_30 : memref<1x128xi32, #tpu.memory_space<vmem>> -> memref<128xi32, #tpu.memory_space<vmem>>
        %dma_wait3A_32 = arith.constant 0 : i32
        %dma_wait3A_33 = arith.constant 0 : i32
        %dma_wait3A_34 = tpu.memref_slice %arg12[%dma_wait3A_32, %dma_wait3A_33] : memref<10240x128xf32, #tpu.memory_space<vmem_shared>> -> memref<10240x128xf32, #tpu.memory_space<vmem_shared>>
        tpu.wait_indirect_dma semaphore(%run_scoped3A : memref<!tpu.dma_semaphore, #tpu.memory_space<semaphore_mem>>) src(%arg11 : memref<128x128xf32, #tpu.memory_space<vmem>>) dst(%dma_wait3A_34 : memref<10240x128xf32, #tpu.memory_space<vmem_shared>>)
        tpu.yield
      }) : () -> ()
    }
    %scan3A_5 = arith.constant 79 : i32
    %barrier3A_6 = arith.constant 0 : index
    tpu.barrier barrier_id(%barrier3A_6)
    %eq3A = arith.constant 0 : i32
    %eq3A_7 = arith.cmpi eq, %arg0, %eq3A : i32
    %convert_element_type3A = arith.extui %eq3A_7 : i1 to i32
    %cond3A = arith.constant 0 : i32
    %cond3A_8 = arith.cmpi ne, %convert_element_type3A, %cond3A : i32
    scf.if %cond3A_8 {
      %mul3A_14 = arith.constant 632 : i32
      %mul3A_15 = arith.muli %arg1, %mul3A_14 : i32
      %mul3A_16 = arith.constant 632 : i32
      %mul3A_17 = arith.muli %arg1, %mul3A_16 : i32
      "tpu.region"() ({
        %run_scoped3A = tpu.sem_alloc : memref<!tpu.dma_semaphore, #tpu.memory_space<semaphore_mem>>
        %dma_start3A = arith.constant 0 : i32
        %dma_start3A_18 = tpu.memref_slice %arg7[%mul3A_17, %dma_start3A] : memref<10112x128xf32, #tpu.memory_space<hbm>> -> memref<632x128xf32, #tpu.memory_space<hbm>>
        %dma_start3A_19 = arith.constant 0 : i32
        %dma_start3A_20 = tpu.memref_slice %arg12[%mul3A_15, %dma_start3A_19] : memref<10240x128xf32, #tpu.memory_space<vmem_shared>> -> memref<632x128xf32, #tpu.memory_space<vmem_shared>>
        tpu.enqueue_dma source(%dma_start3A_20 : memref<632x128xf32, #tpu.memory_space<vmem_shared>>) target(%dma_start3A_18 : memref<632x128xf32, #tpu.memory_space<hbm>>) target_semaphore(%run_scoped3A : memref<!tpu.dma_semaphore, #tpu.memory_space<semaphore_mem>>)
        %dma_wait3A = arith.constant 0 : i32
        %dma_wait3A_21 = tpu.memref_slice %arg7[%mul3A_17, %dma_wait3A] : memref<10112x128xf32, #tpu.memory_space<hbm>> -> memref<632x128xf32, #tpu.memory_space<hbm>>
        %dma_wait3A_22 = arith.constant 0 : i32
        %dma_wait3A_23 = tpu.memref_slice %arg12[%mul3A_15, %dma_wait3A_22] : memref<10240x128xf32, #tpu.memory_space<vmem_shared>> -> memref<632x128xf32, #tpu.memory_space<vmem_shared>>
        tpu.wait_dma2 semaphore(%run_scoped3A : memref<!tpu.dma_semaphore, #tpu.memory_space<semaphore_mem>>) src(%dma_wait3A_23 : memref<632x128xf32, #tpu.memory_space<vmem_shared>>) dst(%dma_wait3A_21 : memref<632x128xf32, #tpu.memory_space<hbm>>)
        tpu.yield
      }) : () -> ()
    } else {
    }
    %eq3A_9 = arith.constant 1 : i32
    %eq3A_10 = arith.cmpi eq, %arg0, %eq3A_9 : i32
    %convert_element_type3A_11 = arith.extui %eq3A_10 : i1 to i32
    %cond3A_12 = arith.constant 0 : i32
    %cond3A_13 = arith.cmpi ne, %convert_element_type3A_11, %cond3A_12 : i32
    scf.if %cond3A_13 {
      %mul3A_14 = arith.constant 632 : i32
      %mul3A_15 = arith.muli %arg1, %mul3A_14 : i32
      %mul3A_16 = arith.constant 632 : i32
      %mul3A_17 = arith.muli %arg1, %mul3A_16 : i32
      "tpu.region"() ({
        %run_scoped3A = tpu.sem_alloc : memref<!tpu.dma_semaphore, #tpu.memory_space<semaphore_mem>>
        %dma_start3A = arith.constant 0 : i32
        %dma_start3A_18 = tpu.memref_slice %arg8[%mul3A_17, %dma_start3A] : memref<10112x128xf32, #tpu.memory_space<hbm>> -> memref<632x128xf32, #tpu.memory_space<hbm>>
        %dma_start3A_19 = arith.constant 0 : i32
        %dma_start3A_20 = tpu.memref_slice %arg12[%mul3A_15, %dma_start3A_19] : memref<10240x128xf32, #tpu.memory_space<vmem_shared>> -> memref<632x128xf32, #tpu.memory_space<vmem_shared>>
        tpu.enqueue_dma source(%dma_start3A_20 : memref<632x128xf32, #tpu.memory_space<vmem_shared>>) target(%dma_start3A_18 : memref<632x128xf32, #tpu.memory_space<hbm>>) target_semaphore(%run_scoped3A : memref<!tpu.dma_semaphore, #tpu.memory_space<semaphore_mem>>)
        %dma_wait3A = arith.constant 0 : i32
        %dma_wait3A_21 = tpu.memref_slice %arg8[%mul3A_17, %dma_wait3A] : memref<10112x128xf32, #tpu.memory_space<hbm>> -> memref<632x128xf32, #tpu.memory_space<hbm>>
        %dma_wait3A_22 = arith.constant 0 : i32
        %dma_wait3A_23 = tpu.memref_slice %arg12[%mul3A_15, %dma_wait3A_22] : memref<10240x128xf32, #tpu.memory_space<vmem_shared>> -> memref<632x128xf32, #tpu.memory_space<vmem_shared>>
        tpu.wait_dma2 semaphore(%run_scoped3A : memref<!tpu.dma_semaphore, #tpu.memory_space<semaphore_mem>>) src(%dma_wait3A_23 : memref<632x128xf32, #tpu.memory_space<vmem_shared>>) dst(%dma_wait3A_21 : memref<632x128xf32, #tpu.memory_space<hbm>>)
        tpu.yield
      }) : () -> ()
    } else {
    }
    return
  }
}

#map = affine_map<(d0, d1) -> (0, 0)>
#map1 = affine_map<(d0, d1) -> (0, 0, 0)>
module attributes {stable_mosaic.version = 14 : i64} {
  func.func @_sc_agg_body(%arg0: i32, %arg1: i32, %arg2: memref<10000x128xf32, #tpu.memory_space<hbm>>, %arg3: memref<10000x128xf32, #tpu.memory_space<hbm>>, %arg4: memref<16x79x128xi32, #tpu.memory_space<hbm>>, %arg5: memref<16x79x128xi32, #tpu.memory_space<hbm>>, %arg6: memref<640x128xf32, #tpu.memory_space<hbm>>, %arg7: memref<10112x128xf32, #tpu.memory_space<hbm>>, %arg8: memref<10112x128xf32, #tpu.memory_space<hbm>>, %arg9: memref<79x128xi32, #tpu.memory_space<vmem>>, %arg10: memref<79x128xi32, #tpu.memory_space<vmem>>, %arg11: memref<128x128xf32, #tpu.memory_space<vmem>>, %arg12: memref<10240x128xf32, #tpu.memory_space<vmem_shared>>, %arg13: memref<!tpu.dma_semaphore, #tpu.memory_space<semaphore_mem>>) attributes {dimension_semantics = [#tpu.dimension_semantics<core_parallel>, #tpu.dimension_semantics<subcore_parallel>], iteration_bounds = array<i64: 2, 16>, scalar_prefetch = 0 : i64, scratch_operands = 5 : i64, tpu.core_type = #tpu.core_type<sc_vector_subcore>, window_params = [{transform_indices = #map}, {transform_indices = #map}, {transform_indices = #map1}, {transform_indices = #map1}, {transform_indices = #map}, {transform_indices = #map}, {transform_indices = #map}]} {
    "tpu.region"() ({
      %run_scoped3A = tpu.sem_alloc : memref<!tpu.dma_semaphore, #tpu.memory_space<semaphore_mem>>
      %dma_start3A = arith.constant 0 : i32
      %dma_start3A_14 = arith.constant 0 : i32
      %dma_start3A_15 = tpu.memref_slice %arg4[%arg1, %dma_start3A, %dma_start3A_14] : memref<16x79x128xi32, #tpu.memory_space<hbm>> -> memref<1x79x128xi32, #tpu.memory_space<hbm>>
      %dma_start3A_16 = tpu.memref_squeeze %dma_start3A_15 : memref<1x79x128xi32, #tpu.memory_space<hbm>> -> memref<79x128xi32, #tpu.memory_space<hbm>>
      %dma_start3A_17 = arith.constant 0 : i32
      %dma_start3A_18 = arith.constant 0 : i32
      %dma_start3A_19 = tpu.memref_slice %arg4[%arg1, %dma_start3A_17, %dma_start3A_18] : memref<16x79x128xi32, #tpu.memory_space<hbm>> -> memref<1x79x128xi32, #tpu.memory_space<hbm>>
      %dma_start3A_20 = tpu.memref_squeeze %dma_start3A_19 : memref<1x79x128xi32, #tpu.memory_space<hbm>> -> memref<79x128xi32, #tpu.memory_space<hbm>>
      tpu.enqueue_dma source(%dma_start3A_20 : memref<79x128xi32, #tpu.memory_space<hbm>>) target(%arg9 : memref<79x128xi32, #tpu.memory_space<vmem>>) target_semaphore(%run_scoped3A : memref<!tpu.dma_semaphore, #tpu.memory_space<semaphore_mem>>)
      %dma_wait3A = arith.constant 0 : i32
      %dma_wait3A_21 = arith.constant 0 : i32
      %dma_wait3A_22 = tpu.memref_slice %arg4[%arg1, %dma_wait3A, %dma_wait3A_21] : memref<16x79x128xi32, #tpu.memory_space<hbm>> -> memref<1x79x128xi32, #tpu.memory_space<hbm>>
      %dma_wait3A_23 = tpu.memref_squeeze %dma_wait3A_22 : memref<1x79x128xi32, #tpu.memory_space<hbm>> -> memref<79x128xi32, #tpu.memory_space<hbm>>
      %dma_wait3A_24 = arith.constant 0 : i32
      %dma_wait3A_25 = arith.constant 0 : i32
      %dma_wait3A_26 = tpu.memref_slice %arg4[%arg1, %dma_wait3A_24, %dma_wait3A_25] : memref<16x79x128xi32, #tpu.memory_space<hbm>> -> memref<1x79x128xi32, #tpu.memory_space<hbm>>
      %dma_wait3A_27 = tpu.memref_squeeze %dma_wait3A_26 : memref<1x79x128xi32, #tpu.memory_space<hbm>> -> memref<79x128xi32, #tpu.memory_space<hbm>>
      tpu.wait_dma2 semaphore(%run_scoped3A : memref<!tpu.dma_semaphore, #tpu.memory_space<semaphore_mem>>) src(%dma_wait3A_27 : memref<79x128xi32, #tpu.memory_space<hbm>>) dst(%arg9 : memref<79x128xi32, #tpu.memory_space<vmem>>)
      tpu.yield
    }) : () -> ()
    "tpu.region"() ({
      %run_scoped3A = tpu.sem_alloc : memref<!tpu.dma_semaphore, #tpu.memory_space<semaphore_mem>>
      %dma_start3A = arith.constant 0 : i32
      %dma_start3A_14 = arith.constant 0 : i32
      %dma_start3A_15 = tpu.memref_slice %arg5[%arg1, %dma_start3A, %dma_start3A_14] : memref<16x79x128xi32, #tpu.memory_space<hbm>> -> memref<1x79x128xi32, #tpu.memory_space<hbm>>
      %dma_start3A_16 = tpu.memref_squeeze %dma_start3A_15 : memref<1x79x128xi32, #tpu.memory_space<hbm>> -> memref<79x128xi32, #tpu.memory_space<hbm>>
      %dma_start3A_17 = arith.constant 0 : i32
      %dma_start3A_18 = arith.constant 0 : i32
      %dma_start3A_19 = tpu.memref_slice %arg5[%arg1, %dma_start3A_17, %dma_start3A_18] : memref<16x79x128xi32, #tpu.memory_space<hbm>> -> memref<1x79x128xi32, #tpu.memory_space<hbm>>
      %dma_start3A_20 = tpu.memref_squeeze %dma_start3A_19 : memref<1x79x128xi32, #tpu.memory_space<hbm>> -> memref<79x128xi32, #tpu.memory_space<hbm>>
      tpu.enqueue_dma source(%dma_start3A_20 : memref<79x128xi32, #tpu.memory_space<hbm>>) target(%arg10 : memref<79x128xi32, #tpu.memory_space<vmem>>) target_semaphore(%run_scoped3A : memref<!tpu.dma_semaphore, #tpu.memory_space<semaphore_mem>>)
      %dma_wait3A = arith.constant 0 : i32
      %dma_wait3A_21 = arith.constant 0 : i32
      %dma_wait3A_22 = tpu.memref_slice %arg5[%arg1, %dma_wait3A, %dma_wait3A_21] : memref<16x79x128xi32, #tpu.memory_space<hbm>> -> memref<1x79x128xi32, #tpu.memory_space<hbm>>
      %dma_wait3A_23 = tpu.memref_squeeze %dma_wait3A_22 : memref<1x79x128xi32, #tpu.memory_space<hbm>> -> memref<79x128xi32, #tpu.memory_space<hbm>>
      %dma_wait3A_24 = arith.constant 0 : i32
      %dma_wait3A_25 = arith.constant 0 : i32
      %dma_wait3A_26 = tpu.memref_slice %arg5[%arg1, %dma_wait3A_24, %dma_wait3A_25] : memref<16x79x128xi32, #tpu.memory_space<hbm>> -> memref<1x79x128xi32, #tpu.memory_space<hbm>>
      %dma_wait3A_27 = tpu.memref_squeeze %dma_wait3A_26 : memref<1x79x128xi32, #tpu.memory_space<hbm>> -> memref<79x128xi32, #tpu.memory_space<hbm>>
      tpu.wait_dma2 semaphore(%run_scoped3A : memref<!tpu.dma_semaphore, #tpu.memory_space<semaphore_mem>>) src(%dma_wait3A_27 : memref<79x128xi32, #tpu.memory_space<hbm>>) dst(%arg10 : memref<79x128xi32, #tpu.memory_space<vmem>>)
      tpu.yield
    }) : () -> ()
    %mul3A = arith.constant 640 : i32
    %mul3A_0 = arith.muli %arg1, %mul3A : i32
    "tpu.region"() ({
      %run_scoped3A = tpu.sem_alloc : memref<!tpu.dma_semaphore, #tpu.memory_space<semaphore_mem>>
      %dma_start3A = arith.constant 0 : i32
      %dma_start3A_14 = tpu.memref_slice %arg12[%mul3A_0, %dma_start3A] : memref<10240x128xf32, #tpu.memory_space<vmem_shared>> -> memref<640x128xf32, #tpu.memory_space<vmem_shared>>
      tpu.enqueue_dma source(%arg6 : memref<640x128xf32, #tpu.memory_space<hbm>>) target(%dma_start3A_14 : memref<640x128xf32, #tpu.memory_space<vmem_shared>>) target_semaphore(%run_scoped3A : memref<!tpu.dma_semaphore, #tpu.memory_space<semaphore_mem>>)
      %dma_wait3A = arith.constant 0 : i32
      %dma_wait3A_15 = tpu.memref_slice %arg12[%mul3A_0, %dma_wait3A] : memref<10240x128xf32, #tpu.memory_space<vmem_shared>> -> memref<640x128xf32, #tpu.memory_space<vmem_shared>>
      tpu.wait_dma2 semaphore(%run_scoped3A : memref<!tpu.dma_semaphore, #tpu.memory_space<semaphore_mem>>) src(%arg6 : memref<640x128xf32, #tpu.memory_space<hbm>>) dst(%dma_wait3A_15 : memref<640x128xf32, #tpu.memory_space<vmem_shared>>)
      tpu.yield
    }) : () -> ()
    %barrier3A = arith.constant 0 : index
    tpu.barrier barrier_id(%barrier3A)
    %scan3A = arith.constant 0 : i32
    %scan3A_1 = arith.constant 0 : i32
    %scan3A_2 = arith.constant 79 : i32
    %scan3A_3 = arith.addi %scan3A_1, %scan3A_2 : i32
    %scan3A_4 = arith.constant 1 : i32
    scf.for %scan3A_14 = %scan3A_1 to %scan3A_3 step %scan3A_4  : i32 {
      %eq3A_15 = arith.constant 0 : i32
      %eq3A_16 = arith.cmpi eq, %arg0, %eq3A_15 : i32
      %convert_element_type3A_17 = arith.extui %eq3A_16 : i1 to i32
      %cond3A_18 = arith.constant 0 : i32
      %cond3A_19 = arith.cmpi ne, %convert_element_type3A_17, %cond3A_18 : i32
      scf.if %cond3A_19 {
        %dma_start3A = arith.constant 0 : i32
        %dma_start3A_25 = tpu.memref_slice %arg9[%scan3A_14, %dma_start3A] : memref<79x128xi32, #tpu.memory_space<vmem>> -> memref<1x128xi32, #tpu.memory_space<vmem>>
        %dma_start3A_26 = tpu.memref_squeeze %dma_start3A_25 : memref<1x128xi32, #tpu.memory_space<vmem>> -> memref<128xi32, #tpu.memory_space<vmem>>
        %dma_start3A_27 = arith.constant 0 : i32
        %dma_start3A_28 = arith.constant 0 : i32
        %dma_start3A_29 = tpu.memref_slice %arg2[%dma_start3A_27, %dma_start3A_28] : memref<10000x128xf32, #tpu.memory_space<hbm>> -> memref<10000x128xf32, #tpu.memory_space<hbm>>
        tpu.enqueue_indirect_dma source(%dma_start3A_29 : memref<10000x128xf32, #tpu.memory_space<hbm>>) target(%arg11 : memref<128x128xf32, #tpu.memory_space<vmem>>) offsets(%dma_start3A_26 : memref<128xi32, #tpu.memory_space<vmem>>) semaphore(%arg13 : memref<!tpu.dma_semaphore, #tpu.memory_space<semaphore_mem>>)
        %dma_wait3A = arith.constant 0 : i32
        %dma_wait3A_30 = tpu.memref_slice %arg9[%scan3A_14, %dma_wait3A] : memref<79x128xi32, #tpu.memory_space<vmem>> -> memref<1x128xi32, #tpu.memory_space<vmem>>
        %dma_wait3A_31 = tpu.memref_squeeze %dma_wait3A_30 : memref<1x128xi32, #tpu.memory_space<vmem>> -> memref<128xi32, #tpu.memory_space<vmem>>
        %dma_wait3A_32 = arith.constant 0 : i32
        %dma_wait3A_33 = arith.constant 0 : i32
        %dma_wait3A_34 = tpu.memref_slice %arg2[%dma_wait3A_32, %dma_wait3A_33] : memref<10000x128xf32, #tpu.memory_space<hbm>> -> memref<10000x128xf32, #tpu.memory_space<hbm>>
        tpu.wait_indirect_dma semaphore(%arg13 : memref<!tpu.dma_semaphore, #tpu.memory_space<semaphore_mem>>) src(%dma_wait3A_34 : memref<10000x128xf32, #tpu.memory_space<hbm>>) dst(%arg11 : memref<128x128xf32, #tpu.memory_space<vmem>>)
      } else {
      }
      %eq3A_20 = arith.constant 1 : i32
      %eq3A_21 = arith.cmpi eq, %arg0, %eq3A_20 : i32
      %convert_element_type3A_22 = arith.extui %eq3A_21 : i1 to i32
      %cond3A_23 = arith.constant 0 : i32
      %cond3A_24 = arith.cmpi ne, %convert_element_type3A_22, %cond3A_23 : i32
      scf.if %cond3A_24 {
        %dma_start3A = arith.constant 0 : i32
        %dma_start3A_25 = tpu.memref_slice %arg9[%scan3A_14, %dma_start3A] : memref<79x128xi32, #tpu.memory_space<vmem>> -> memref<1x128xi32, #tpu.memory_space<vmem>>
        %dma_start3A_26 = tpu.memref_squeeze %dma_start3A_25 : memref<1x128xi32, #tpu.memory_space<vmem>> -> memref<128xi32, #tpu.memory_space<vmem>>
        %dma_start3A_27 = arith.constant 0 : i32
        %dma_start3A_28 = arith.constant 0 : i32
        %dma_start3A_29 = tpu.memref_slice %arg3[%dma_start3A_27, %dma_start3A_28] : memref<10000x128xf32, #tpu.memory_space<hbm>> -> memref<10000x128xf32, #tpu.memory_space<hbm>>
        tpu.enqueue_indirect_dma source(%dma_start3A_29 : memref<10000x128xf32, #tpu.memory_space<hbm>>) target(%arg11 : memref<128x128xf32, #tpu.memory_space<vmem>>) offsets(%dma_start3A_26 : memref<128xi32, #tpu.memory_space<vmem>>) semaphore(%arg13 : memref<!tpu.dma_semaphore, #tpu.memory_space<semaphore_mem>>)
        %dma_wait3A = arith.constant 0 : i32
        %dma_wait3A_30 = tpu.memref_slice %arg9[%scan3A_14, %dma_wait3A] : memref<79x128xi32, #tpu.memory_space<vmem>> -> memref<1x128xi32, #tpu.memory_space<vmem>>
        %dma_wait3A_31 = tpu.memref_squeeze %dma_wait3A_30 : memref<1x128xi32, #tpu.memory_space<vmem>> -> memref<128xi32, #tpu.memory_space<vmem>>
        %dma_wait3A_32 = arith.constant 0 : i32
        %dma_wait3A_33 = arith.constant 0 : i32
        %dma_wait3A_34 = tpu.memref_slice %arg3[%dma_wait3A_32, %dma_wait3A_33] : memref<10000x128xf32, #tpu.memory_space<hbm>> -> memref<10000x128xf32, #tpu.memory_space<hbm>>
        tpu.wait_indirect_dma semaphore(%arg13 : memref<!tpu.dma_semaphore, #tpu.memory_space<semaphore_mem>>) src(%dma_wait3A_34 : memref<10000x128xf32, #tpu.memory_space<hbm>>) dst(%arg11 : memref<128x128xf32, #tpu.memory_space<vmem>>)
      } else {
      }
      "tpu.region"() ({
        %run_scoped3A = tpu.sem_alloc : memref<!tpu.dma_semaphore, #tpu.memory_space<semaphore_mem>>
        %dma_start3A = arith.constant 0 : i32
        %dma_start3A_25 = tpu.memref_slice %arg10[%scan3A_14, %dma_start3A] : memref<79x128xi32, #tpu.memory_space<vmem>> -> memref<1x128xi32, #tpu.memory_space<vmem>>
        %dma_start3A_26 = tpu.memref_squeeze %dma_start3A_25 : memref<1x128xi32, #tpu.memory_space<vmem>> -> memref<128xi32, #tpu.memory_space<vmem>>
        %dma_start3A_27 = arith.constant 0 : i32
        %dma_start3A_28 = arith.constant 0 : i32
        %dma_start3A_29 = tpu.memref_slice %arg12[%dma_start3A_27, %dma_start3A_28] : memref<10240x128xf32, #tpu.memory_space<vmem_shared>> -> memref<10240x128xf32, #tpu.memory_space<vmem_shared>>
        tpu.enqueue_indirect_dma source(%arg11 : memref<128x128xf32, #tpu.memory_space<vmem>>) target(%dma_start3A_29 : memref<10240x128xf32, #tpu.memory_space<vmem_shared>>) offsets(%dma_start3A_26 : memref<128xi32, #tpu.memory_space<vmem>>) semaphore(%run_scoped3A : memref<!tpu.dma_semaphore, #tpu.memory_space<semaphore_mem>>) {add = true}
        %dma_wait3A = arith.constant 0 : i32
        %dma_wait3A_30 = tpu.memref_slice %arg10[%scan3A_14, %dma_wait3A] : memref<79x128xi32, #tpu.memory_space<vmem>> -> memref<1x128xi32, #tpu.memory_space<vmem>>
        %dma_wait3A_31 = tpu.memref_squeeze %dma_wait3A_30 : memref<1x128xi32, #tpu.memory_space<vmem>> -> memref<128xi32, #tpu.memory_space<vmem>>
        %dma_wait3A_32 = arith.constant 0 : i32
        %dma_wait3A_33 = arith.constant 0 : i32
        %dma_wait3A_34 = tpu.memref_slice %arg12[%dma_wait3A_32, %dma_wait3A_33] : memref<10240x128xf32, #tpu.memory_space<vmem_shared>> -> memref<10240x128xf32, #tpu.memory_space<vmem_shared>>
        tpu.wait_indirect_dma semaphore(%run_scoped3A : memref<!tpu.dma_semaphore, #tpu.memory_space<semaphore_mem>>) src(%arg11 : memref<128x128xf32, #tpu.memory_space<vmem>>) dst(%dma_wait3A_34 : memref<10240x128xf32, #tpu.memory_space<vmem_shared>>)
        tpu.yield
      }) : () -> ()
    }
    %scan3A_5 = arith.constant 79 : i32
    %barrier3A_6 = arith.constant 0 : index
    tpu.barrier barrier_id(%barrier3A_6)
    %eq3A = arith.constant 0 : i32
    %eq3A_7 = arith.cmpi eq, %arg0, %eq3A : i32
    %convert_element_type3A = arith.extui %eq3A_7 : i1 to i32
    %cond3A = arith.constant 0 : i32
    %cond3A_8 = arith.cmpi ne, %convert_element_type3A, %cond3A : i32
    scf.if %cond3A_8 {
      %mul3A_14 = arith.constant 632 : i32
      %mul3A_15 = arith.muli %arg1, %mul3A_14 : i32
      %mul3A_16 = arith.constant 632 : i32
      %mul3A_17 = arith.muli %arg1, %mul3A_16 : i32
      "tpu.region"() ({
        %run_scoped3A = tpu.sem_alloc : memref<!tpu.dma_semaphore, #tpu.memory_space<semaphore_mem>>
        %dma_start3A = arith.constant 0 : i32
        %dma_start3A_18 = tpu.memref_slice %arg7[%mul3A_17, %dma_start3A] : memref<10112x128xf32, #tpu.memory_space<hbm>> -> memref<632x128xf32, #tpu.memory_space<hbm>>
        %dma_start3A_19 = arith.constant 0 : i32
        %dma_start3A_20 = tpu.memref_slice %arg12[%mul3A_15, %dma_start3A_19] : memref<10240x128xf32, #tpu.memory_space<vmem_shared>> -> memref<632x128xf32, #tpu.memory_space<vmem_shared>>
        tpu.enqueue_dma source(%dma_start3A_20 : memref<632x128xf32, #tpu.memory_space<vmem_shared>>) target(%dma_start3A_18 : memref<632x128xf32, #tpu.memory_space<hbm>>) target_semaphore(%run_scoped3A : memref<!tpu.dma_semaphore, #tpu.memory_space<semaphore_mem>>)
        %dma_wait3A = arith.constant 0 : i32
        %dma_wait3A_21 = tpu.memref_slice %arg7[%mul3A_17, %dma_wait3A] : memref<10112x128xf32, #tpu.memory_space<hbm>> -> memref<632x128xf32, #tpu.memory_space<hbm>>
        %dma_wait3A_22 = arith.constant 0 : i32
        %dma_wait3A_23 = tpu.memref_slice %arg12[%mul3A_15, %dma_wait3A_22] : memref<10240x128xf32, #tpu.memory_space<vmem_shared>> -> memref<632x128xf32, #tpu.memory_space<vmem_shared>>
        tpu.wait_dma2 semaphore(%run_scoped3A : memref<!tpu.dma_semaphore, #tpu.memory_space<semaphore_mem>>) src(%dma_wait3A_23 : memref<632x128xf32, #tpu.memory_space<vmem_shared>>) dst(%dma_wait3A_21 : memref<632x128xf32, #tpu.memory_space<hbm>>)
        tpu.yield
      }) : () -> ()
    } else {
    }
    %eq3A_9 = arith.constant 1 : i32
    %eq3A_10 = arith.cmpi eq, %arg0, %eq3A_9 : i32
    %convert_element_type3A_11 = arith.extui %eq3A_10 : i1 to i32
    %cond3A_12 = arith.constant 0 : i32
    %cond3A_13 = arith.cmpi ne, %convert_element_type3A_11, %cond3A_12 : i32
    scf.if %cond3A_13 {
      %mul3A_14 = arith.constant 632 : i32
      %mul3A_15 = arith.muli %arg1, %mul3A_14 : i32
      %mul3A_16 = arith.constant 632 : i32
      %mul3A_17 = arith.muli %arg1, %mul3A_16 : i32
      "tpu.region"() ({
        %run_scoped3A = tpu.sem_alloc : memref<!tpu.dma_semaphore, #tpu.memory_space<semaphore_mem>>
        %dma_start3A = arith.constant 0 : i32
        %dma_start3A_18 = tpu.memref_slice %arg8[%mul3A_17, %dma_start3A] : memref<10112x128xf32, #tpu.memory_space<hbm>> -> memref<632x128xf32, #tpu.memory_space<hbm>>
        %dma_start3A_19 = arith.constant 0 : i32
        %dma_start3A_20 = tpu.memref_slice %arg12[%mul3A_15, %dma_start3A_19] : memref<10240x128xf32, #tpu.memory_space<vmem_shared>> -> memref<632x128xf32, #tpu.memory_space<vmem_shared>>
        tpu.enqueue_dma source(%dma_start3A_20 : memref<632x128xf32, #tpu.memory_space<vmem_shared>>) target(%dma_start3A_18 : memref<632x128xf32, #tpu.memory_space<hbm>>) target_semaphore(%run_scoped3A : memref<!tpu.dma_semaphore, #tpu.memory_space<semaphore_mem>>)
        %dma_wait3A = arith.constant 0 : i32
        %dma_wait3A_21 = tpu.memref_slice %arg8[%mul3A_17, %dma_wait3A] : memref<10112x128xf32, #tpu.memory_space<hbm>> -> memref<632x128xf32, #tpu.memory_space<hbm>>
        %dma_wait3A_22 = arith.constant 0 : i32
        %dma_wait3A_23 = tpu.memref_slice %arg12[%mul3A_15, %dma_wait3A_22] : memref<10240x128xf32, #tpu.memory_space<vmem_shared>> -> memref<632x128xf32, #tpu.memory_space<vmem_shared>>
        tpu.wait_dma2 semaphore(%run_scoped3A : memref<!tpu.dma_semaphore, #tpu.memory_space<semaphore_mem>>) src(%dma_wait3A_23 : memref<632x128xf32, #tpu.memory_space<vmem_shared>>) dst(%dma_wait3A_21 : memref<632x128xf32, #tpu.memory_space<hbm>>)
        tpu.yield
      }) : () -> ()
    } else {
    }
    return
  }
}

module attributes {stable_mosaic.version = 14 : i64} {
  func.func @_tc_prep_body(%arg0: i32, %arg1: memref<1000x256xf32, #tpu.memory_space<vmem>>, %arg2: memref<1000x128xf32, #tpu.memory_space<vmem>>, %arg3: memref<1000x128xf32, #tpu.memory_space<vmem>>, %arg4: memref<256x256xf32, #tpu.memory_space<vmem>>, %arg5: memref<1x256xf32, #tpu.memory_space<vmem>>, %arg6: memref<1000x128xf32, #tpu.memory_space<vmem>>, %arg7: memref<1000x128xf32, #tpu.memory_space<vmem>>, %arg8: memref<1000x16xf32, #tpu.memory_space<vmem>>, %arg9: memref<1000x256xf32, #tpu.memory_space<vmem>>) attributes {dimension_semantics = [#tpu.dimension_semantics<arbitrary>], iteration_bounds = array<i64: 10>, scalar_prefetch = 0 : i64, scratch_operands = 0 : i64, tpu.core_type = #tpu.core_type<tc>, window_params = [{transform_indices = @transform_0, window_bounds = array<i64: 1000, 256>}, {transform_indices = @transform_1, window_bounds = array<i64: 1000, 128>}, {transform_indices = @transform_2, window_bounds = array<i64: 1000, 128>}, {pipeline_mode = #tpu.pipeline_mode<synchronous>, transform_indices = @transform_3, window_bounds = array<i64: 256, 256>}, {pipeline_mode = #tpu.pipeline_mode<synchronous>, transform_indices = @transform_4, window_bounds = array<i64: 1, 256>}, {transform_indices = @transform_5, window_bounds = array<i64: 1000, 128>}, {transform_indices = @transform_6, window_bounds = array<i64: 1000, 128>}, {transform_indices = @transform_7, window_bounds = array<i64: 1000, 16>}, {transform_indices = @transform_8, window_bounds = array<i64: 1000, 256>}]} {
    %get3A = arith.constant 0 : index
    %get3A_0 = arith.constant 0 : index
    %get3A_1 = vector.load %arg2[%get3A, %get3A_0] : memref<1000x128xf32, #tpu.memory_space<vmem>>, vector<1000x128xf32>
    %slice3A = vector.extract_strided_slice %get3A_1 {offsets = [0, 0], sizes = [1000, 16], strides = [1, 1]} : vector<1000x128xf32> to vector<1000x16xf32>
    %get3A_2 = arith.constant 0 : index
    %get3A_3 = arith.constant 0 : index
    %get3A_4 = vector.load %arg3[%get3A_2, %get3A_3] : memref<1000x128xf32, #tpu.memory_space<vmem>>, vector<1000x128xf32>
    %slice3A_5 = vector.extract_strided_slice %get3A_4 {offsets = [0, 0], sizes = [1000, 16], strides = [1, 1]} : vector<1000x128xf32> to vector<1000x16xf32>
    %add3A = arith.addf %slice3A, %slice3A_5 : vector<1000x16xf32>
    %max3A = arith.constant 1.000000e+00 : f32
    %max3A_6 = vector.broadcast %max3A : f32 to vector<1000x16xf32>
    %max3A_7 = arith.maximumf %add3A, %max3A_6 : vector<1000x16xf32>
    %rsqrt3A = math.rsqrt %max3A_7 : vector<1000x16xf32>
    %slice3A_8 = vector.extract_strided_slice %rsqrt3A {offsets = [0, 0], sizes = [1000, 1], strides = [1, 1]} : vector<1000x16xf32> to vector<1000x1xf32>
    %get3A_9 = arith.constant 0 : index
    %get3A_10 = arith.constant 0 : index
    %get3A_11 = vector.load %arg1[%get3A_9, %get3A_10] : memref<1000x256xf32, #tpu.memory_space<vmem>>, vector<1000x256xf32>
    %slice3A_12 = vector.extract_strided_slice %get3A_11 {offsets = [0, 0], sizes = [1000, 128], strides = [1, 1]} : vector<1000x256xf32> to vector<1000x128xf32>
    %mul3A = vector.broadcast %slice3A_8 : vector<1000x1xf32> to vector<1000x128xf32>
    %mul3A_13 = arith.mulf %slice3A_12, %mul3A : vector<1000x128xf32>
    %swap3A = arith.constant 0 : index
    %swap3A_14 = arith.constant 0 : index
    %swap3A_15 = vector.load %arg6[%swap3A, %swap3A_14] : memref<1000x128xf32, #tpu.memory_space<vmem>>, vector<1000x128xf32>
    tpu.vector_store %arg6[%swap3A, %swap3A_14], %mul3A_13 {strides = array<i32>} : memref<1000x128xf32, #tpu.memory_space<vmem>>, vector<1000x128xf32>,
    %slice3A_16 = vector.extract_strided_slice %get3A_11 {offsets = [0, 128], sizes = [1000, 128], strides = [1, 1]} : vector<1000x256xf32> to vector<1000x128xf32>
    %mul3A_17 = vector.broadcast %slice3A_8 : vector<1000x1xf32> to vector<1000x128xf32>
    %mul3A_18 = arith.mulf %slice3A_16, %mul3A_17 : vector<1000x128xf32>
    %swap3A_19 = arith.constant 0 : index
    %swap3A_20 = arith.constant 0 : index
    %swap3A_21 = vector.load %arg7[%swap3A_19, %swap3A_20] : memref<1000x128xf32, #tpu.memory_space<vmem>>, vector<1000x128xf32>
    tpu.vector_store %arg7[%swap3A_19, %swap3A_20], %mul3A_18 {strides = array<i32>} : memref<1000x128xf32, #tpu.memory_space<vmem>>, vector<1000x128xf32>,
    %swap3A_22 = arith.constant 0 : index
    %swap3A_23 = arith.constant 0 : index
    %swap3A_24 = vector.load %arg8[%swap3A_22, %swap3A_23] : memref<1000x16xf32, #tpu.memory_space<vmem>>, vector<1000x16xf32>
    tpu.vector_store %arg8[%swap3A_22, %swap3A_23], %rsqrt3A {strides = array<i32>} : memref<1000x16xf32, #tpu.memory_space<vmem>>, vector<1000x16xf32>,
    %get3A_25 = arith.constant 0 : index
    %get3A_26 = arith.constant 0 : index
    %get3A_27 = vector.load %arg4[%get3A_25, %get3A_26] : memref<256x256xf32, #tpu.memory_space<vmem>>, vector<256x256xf32>
    %dot_general3A = arith.constant dense<0.000000e+00> : vector<1000x256xf32>
    %dot_general3A_28 = tpu.matmul %get3A_11, %get3A_27, %dot_general3A {dimension_numbers = #tpu.dot_dimension_numbers<[1], [0], [0], [1], [0, 0, 1, 1], [], []>, transpose_lhs_hint = false} : vector<1000x256xf32>, vector<256x256xf32>, vector<1000x256xf32> -> vector<1000x256xf32>
    %get3A_29 = arith.constant 0 : index
    %get3A_30 = arith.constant 0 : index
    %get3A_31 = vector.load %arg5[%get3A_29, %get3A_30] : memref<1x256xf32, #tpu.memory_space<vmem>>, vector<1x256xf32>
    %add3A_32 = vector.broadcast %get3A_31 : vector<1x256xf32> to vector<1000x256xf32>
    %add3A_33 = arith.addf %dot_general3A_28, %add3A_32 : vector<1000x256xf32>
    %swap3A_34 = arith.constant 0 : index
    %swap3A_35 = arith.constant 0 : index
    %swap3A_36 = vector.load %arg9[%swap3A_34, %swap3A_35] : memref<1000x256xf32, #tpu.memory_space<vmem>>, vector<1000x256xf32>
    tpu.vector_store %arg9[%swap3A_34, %swap3A_35], %add3A_33 {strides = array<i32>} : memref<1000x256xf32, #tpu.memory_space<vmem>>, vector<1000x256xf32>,
    return
  }
  func.func @transform_0(%arg0: i32) -> (i32, i32) {
    %c0_i32 = arith.constant 0 : i32
    %c0_i32_0 = arith.constant 0 : i32
    return %arg0, %c0_i32 : i32, i32
  }
  func.func @transform_1(%arg0: i32) -> (i32, i32) {
    %c0_i32 = arith.constant 0 : i32
    %c0_i32_0 = arith.constant 0 : i32
    return %arg0, %c0_i32 : i32, i32
  }
  func.func @transform_2(%arg0: i32) -> (i32, i32) {
    %c0_i32 = arith.constant 0 : i32
    %c0_i32_0 = arith.constant 0 : i32
    return %arg0, %c0_i32 : i32, i32
  }
  func.func @transform_3(%arg0: i32) -> (i32, i32) {
    %c0_i32 = arith.constant 0 : i32
    %c0_i32_0 = arith.constant 0 : i32
    %c0_i32_1 = arith.constant 0 : i32
    return %c0_i32, %c0_i32_0 : i32, i32
  }
  func.func @transform_4(%arg0: i32) -> (i32, i32) {
    %c0_i32 = arith.constant 0 : i32
    %c0_i32_0 = arith.constant 0 : i32
    %c0_i32_1 = arith.constant 0 : i32
    return %c0_i32, %c0_i32_0 : i32, i32
  }
  func.func @transform_5(%arg0: i32) -> (i32, i32) {
    %c0_i32 = arith.constant 0 : i32
    %c0_i32_0 = arith.constant 0 : i32
    return %arg0, %c0_i32 : i32, i32
  }
  func.func @transform_6(%arg0: i32) -> (i32, i32) {
    %c0_i32 = arith.constant 0 : i32
    %c0_i32_0 = arith.constant 0 : i32
    return %arg0, %c0_i32 : i32, i32
  }
  func.func @transform_7(%arg0: i32) -> (i32, i32) {
    %c0_i32 = arith.constant 0 : i32
    %c0_i32_0 = arith.constant 0 : i32
    return %arg0, %c0_i32 : i32, i32
  }
  func.func @transform_8(%arg0: i32) -> (i32, i32) {
    %c0_i32 = arith.constant 0 : i32
    %c0_i32_0 = arith.constant 0 : i32
    return %arg0, %c0_i32 : i32, i32
  }
}

module attributes {stable_mosaic.version = 14 : i64} {
  func.func @_tc_layer_body(%arg0: i32, %arg1: memref<1000x128xf32, #tpu.memory_space<vmem>>, %arg2: memref<1000x128xf32, #tpu.memory_space<vmem>>, %arg3: memref<1000x16xf32, #tpu.memory_space<vmem>>, %arg4: memref<1000x256xf32, #tpu.memory_space<vmem>>, %arg5: memref<256x256xf32, #tpu.memory_space<vmem>>, %arg6: memref<1x256xf32, #tpu.memory_space<vmem>>, %arg7: memref<256x256xf32, #tpu.memory_space<vmem>>, %arg8: memref<1x256xf32, #tpu.memory_space<vmem>>, %arg9: memref<1000x128xf32, #tpu.memory_space<vmem>>, %arg10: memref<1000x128xf32, #tpu.memory_space<vmem>>, %arg11: memref<1000x256xf32, #tpu.memory_space<vmem>>) attributes {dimension_semantics = [#tpu.dimension_semantics<arbitrary>], iteration_bounds = array<i64: 10>, scalar_prefetch = 0 : i64, scratch_operands = 0 : i64, tpu.core_type = #tpu.core_type<tc>, window_params = [{transform_indices = @transform_0, window_bounds = array<i64: 1000, 128>}, {transform_indices = @transform_1, window_bounds = array<i64: 1000, 128>}, {transform_indices = @transform_2, window_bounds = array<i64: 1000, 16>}, {transform_indices = @transform_3, window_bounds = array<i64: 1000, 256>}, {pipeline_mode = #tpu.pipeline_mode<synchronous>, transform_indices = @transform_4, window_bounds = array<i64: 256, 256>}, {pipeline_mode = #tpu.pipeline_mode<synchronous>, transform_indices = @transform_5, window_bounds = array<i64: 1, 256>}, {pipeline_mode = #tpu.pipeline_mode<synchronous>, transform_indices = @transform_6, window_bounds = array<i64: 256, 256>}, {pipeline_mode = #tpu.pipeline_mode<synchronous>, transform_indices = @transform_7, window_bounds = array<i64: 1, 256>}, {transform_indices = @transform_8, window_bounds = array<i64: 1000, 128>}, {transform_indices = @transform_9, window_bounds = array<i64: 1000, 128>}, {transform_indices = @transform_10, window_bounds = array<i64: 1000, 256>}]} {
    %get3A = arith.constant 0 : index
    %get3A_0 = arith.constant 0 : index
    %get3A_1 = vector.load %arg3[%get3A, %get3A_0] : memref<1000x16xf32, #tpu.memory_space<vmem>>, vector<1000x16xf32>
    %slice3A = vector.extract_strided_slice %get3A_1 {offsets = [0, 0], sizes = [1000, 1], strides = [1, 1]} : vector<1000x16xf32> to vector<1000x1xf32>
    %get3A_2 = arith.constant 0 : index
    %get3A_3 = arith.constant 0 : index
    %get3A_4 = vector.load %arg1[%get3A_2, %get3A_3] : memref<1000x128xf32, #tpu.memory_space<vmem>>, vector<1000x128xf32>
    %mul3A = vector.broadcast %slice3A : vector<1000x1xf32> to vector<1000x128xf32>
    %mul3A_5 = arith.mulf %get3A_4, %mul3A : vector<1000x128xf32>
    %get3A_6 = arith.constant 0 : index
    %get3A_7 = arith.constant 0 : index
    %get3A_8 = vector.load %arg2[%get3A_6, %get3A_7] : memref<1000x128xf32, #tpu.memory_space<vmem>>, vector<1000x128xf32>
    %mul3A_9 = vector.broadcast %slice3A : vector<1000x1xf32> to vector<1000x128xf32>
    %mul3A_10 = arith.mulf %get3A_8, %mul3A_9 : vector<1000x128xf32>
    %get3A_11 = arith.constant 0 : index
    %get3A_12 = arith.constant 0 : index
    %get3A_13 = vector.load %arg5[%get3A_11, %get3A_12] : memref<256x256xf32, #tpu.memory_space<vmem>>, vector<256x256xf32>
    %slice3A_14 = vector.extract_strided_slice %get3A_13 {offsets = [0, 0], sizes = [128, 256], strides = [1, 1]} : vector<256x256xf32> to vector<128x256xf32>
    %dot_general3A = arith.constant dense<0.000000e+00> : vector<1000x256xf32>
    %dot_general3A_15 = tpu.matmul %mul3A_5, %slice3A_14, %dot_general3A {dimension_numbers = #tpu.dot_dimension_numbers<[1], [0], [0], [1], [0, 0, 1, 1], [], []>, transpose_lhs_hint = false} : vector<1000x128xf32>, vector<128x256xf32>, vector<1000x256xf32> -> vector<1000x256xf32>
    %slice3A_16 = vector.extract_strided_slice %get3A_13 {offsets = [128, 0], sizes = [128, 256], strides = [1, 1]} : vector<256x256xf32> to vector<128x256xf32>
    %dot_general3A_17 = arith.constant dense<0.000000e+00> : vector<1000x256xf32>
    %dot_general3A_18 = tpu.matmul %mul3A_10, %slice3A_16, %dot_general3A_17 {dimension_numbers = #tpu.dot_dimension_numbers<[1], [0], [0], [1], [0, 0, 1, 1], [], []>, transpose_lhs_hint = false} : vector<1000x128xf32>, vector<128x256xf32>, vector<1000x256xf32> -> vector<1000x256xf32>
    %add3A = arith.addf %dot_general3A_15, %dot_general3A_18 : vector<1000x256xf32>
    %get3A_19 = arith.constant 0 : index
    %get3A_20 = arith.constant 0 : index
    %get3A_21 = vector.load %arg6[%get3A_19, %get3A_20] : memref<1x256xf32, #tpu.memory_space<vmem>>, vector<1x256xf32>
    %add3A_22 = vector.broadcast %get3A_21 : vector<1x256xf32> to vector<1000x256xf32>
    %add3A_23 = arith.addf %add3A, %add3A_22 : vector<1000x256xf32>
    %max3A = arith.constant 0.000000e+00 : f32
    %max3A_24 = vector.broadcast %max3A : f32 to vector<1000x256xf32>
    %max3A_25 = arith.maximumf %add3A_23, %max3A_24 : vector<1000x256xf32>
    %get3A_26 = arith.constant 0 : index
    %get3A_27 = arith.constant 0 : index
    %get3A_28 = vector.load %arg4[%get3A_26, %get3A_27] : memref<1000x256xf32, #tpu.memory_space<vmem>>, vector<1000x256xf32>
    %add3A_29 = arith.addf %max3A_25, %get3A_28 : vector<1000x256xf32>
    %max3A_30 = arith.constant 0.000000e+00 : f32
    %max3A_31 = vector.broadcast %max3A_30 : f32 to vector<1000x256xf32>
    %max3A_32 = arith.maximumf %add3A_29, %max3A_31 : vector<1000x256xf32>
    %slice3A_33 = vector.extract_strided_slice %max3A_32 {offsets = [0, 0], sizes = [1000, 128], strides = [1, 1]} : vector<1000x256xf32> to vector<1000x128xf32>
    %mul3A_34 = vector.broadcast %slice3A : vector<1000x1xf32> to vector<1000x128xf32>
    %mul3A_35 = arith.mulf %slice3A_33, %mul3A_34 : vector<1000x128xf32>
    %swap3A = arith.constant 0 : index
    %swap3A_36 = arith.constant 0 : index
    %swap3A_37 = vector.load %arg9[%swap3A, %swap3A_36] : memref<1000x128xf32, #tpu.memory_space<vmem>>, vector<1000x128xf32>
    tpu.vector_store %arg9[%swap3A, %swap3A_36], %mul3A_35 {strides = array<i32>} : memref<1000x128xf32, #tpu.memory_space<vmem>>, vector<1000x128xf32>,
    %slice3A_38 = vector.extract_strided_slice %max3A_32 {offsets = [0, 128], sizes = [1000, 128], strides = [1, 1]} : vector<1000x256xf32> to vector<1000x128xf32>
    %mul3A_39 = vector.broadcast %slice3A : vector<1000x1xf32> to vector<1000x128xf32>
    %mul3A_40 = arith.mulf %slice3A_38, %mul3A_39 : vector<1000x128xf32>
    %swap3A_41 = arith.constant 0 : index
    %swap3A_42 = arith.constant 0 : index
    %swap3A_43 = vector.load %arg10[%swap3A_41, %swap3A_42] : memref<1000x128xf32, #tpu.memory_space<vmem>>, vector<1000x128xf32>
    tpu.vector_store %arg10[%swap3A_41, %swap3A_42], %mul3A_40 {strides = array<i32>} : memref<1000x128xf32, #tpu.memory_space<vmem>>, vector<1000x128xf32>,
    %get3A_44 = arith.constant 0 : index
    %get3A_45 = arith.constant 0 : index
    %get3A_46 = vector.load %arg7[%get3A_44, %get3A_45] : memref<256x256xf32, #tpu.memory_space<vmem>>, vector<256x256xf32>
    %dot_general3A_47 = arith.constant dense<0.000000e+00> : vector<1000x256xf32>
    %dot_general3A_48 = tpu.matmul %max3A_32, %get3A_46, %dot_general3A_47 {dimension_numbers = #tpu.dot_dimension_numbers<[1], [0], [0], [1], [0, 0, 1, 1], [], []>, transpose_lhs_hint = false} : vector<1000x256xf32>, vector<256x256xf32>, vector<1000x256xf32> -> vector<1000x256xf32>
    %get3A_49 = arith.constant 0 : index
    %get3A_50 = arith.constant 0 : index
    %get3A_51 = vector.load %arg8[%get3A_49, %get3A_50] : memref<1x256xf32, #tpu.memory_space<vmem>>, vector<1x256xf32>
    %add3A_52 = vector.broadcast %get3A_51 : vector<1x256xf32> to vector<1000x256xf32>
    %add3A_53 = arith.addf %dot_general3A_48, %add3A_52 : vector<1000x256xf32>
    %swap3A_54 = arith.constant 0 : index
    %swap3A_55 = arith.constant 0 : index
    %swap3A_56 = vector.load %arg11[%swap3A_54, %swap3A_55] : memref<1000x256xf32, #tpu.memory_space<vmem>>, vector<1000x256xf32>
    tpu.vector_store %arg11[%swap3A_54, %swap3A_55], %add3A_53 {strides = array<i32>} : memref<1000x256xf32, #tpu.memory_space<vmem>>, vector<1000x256xf32>,
    return
  }
  func.func @transform_0(%arg0: i32) -> (i32, i32) {
    %c0_i32 = arith.constant 0 : i32
    %c0_i32_0 = arith.constant 0 : i32
    return %arg0, %c0_i32 : i32, i32
  }
  func.func @transform_1(%arg0: i32) -> (i32, i32) {
    %c0_i32 = arith.constant 0 : i32
    %c0_i32_0 = arith.constant 0 : i32
    return %arg0, %c0_i32 : i32, i32
  }
  func.func @transform_2(%arg0: i32) -> (i32, i32) {
    %c0_i32 = arith.constant 0 : i32
    %c0_i32_0 = arith.constant 0 : i32
    return %arg0, %c0_i32 : i32, i32
  }
  func.func @transform_3(%arg0: i32) -> (i32, i32) {
    %c0_i32 = arith.constant 0 : i32
    %c0_i32_0 = arith.constant 0 : i32
    return %arg0, %c0_i32 : i32, i32
  }
  func.func @transform_4(%arg0: i32) -> (i32, i32) {
    %c0_i32 = arith.constant 0 : i32
    %c0_i32_0 = arith.constant 0 : i32
    %c0_i32_1 = arith.constant 0 : i32
    return %c0_i32, %c0_i32_0 : i32, i32
  }
  func.func @transform_5(%arg0: i32) -> (i32, i32) {
    %c0_i32 = arith.constant 0 : i32
    %c0_i32_0 = arith.constant 0 : i32
    %c0_i32_1 = arith.constant 0 : i32
    return %c0_i32, %c0_i32_0 : i32, i32
  }
  func.func @transform_6(%arg0: i32) -> (i32, i32) {
    %c0_i32 = arith.constant 0 : i32
    %c0_i32_0 = arith.constant 0 : i32
    %c0_i32_1 = arith.constant 0 : i32
    return %c0_i32, %c0_i32_0 : i32, i32
  }
  func.func @transform_7(%arg0: i32) -> (i32, i32) {
    %c0_i32 = arith.constant 0 : i32
    %c0_i32_0 = arith.constant 0 : i32
    %c0_i32_1 = arith.constant 0 : i32
    return %c0_i32, %c0_i32_0 : i32, i32
  }
  func.func @transform_8(%arg0: i32) -> (i32, i32) {
    %c0_i32 = arith.constant 0 : i32
    %c0_i32_0 = arith.constant 0 : i32
    return %arg0, %c0_i32 : i32, i32
  }
  func.func @transform_9(%arg0: i32) -> (i32, i32) {
    %c0_i32 = arith.constant 0 : i32
    %c0_i32_0 = arith.constant 0 : i32
    return %arg0, %c0_i32 : i32, i32
  }
  func.func @transform_10(%arg0: i32) -> (i32, i32) {
    %c0_i32 = arith.constant 0 : i32
    %c0_i32_0 = arith.constant 0 : i32
    return %arg0, %c0_i32 : i32, i32
  }
}

module attributes {stable_mosaic.version = 14 : i64} {
  func.func @_tc_out_body(%arg0: i32, %arg1: memref<1000x128xf32, #tpu.memory_space<vmem>>, %arg2: memref<1000x128xf32, #tpu.memory_space<vmem>>, %arg3: memref<1000x16xf32, #tpu.memory_space<vmem>>, %arg4: memref<1000x256xf32, #tpu.memory_space<vmem>>, %arg5: memref<256x256xf32, #tpu.memory_space<vmem>>, %arg6: memref<1x256xf32, #tpu.memory_space<vmem>>, %arg7: memref<1000x256xf32, #tpu.memory_space<vmem>>) attributes {dimension_semantics = [#tpu.dimension_semantics<arbitrary>], iteration_bounds = array<i64: 10>, scalar_prefetch = 0 : i64, scratch_operands = 0 : i64, tpu.core_type = #tpu.core_type<tc>, window_params = [{transform_indices = @transform_0, window_bounds = array<i64: 1000, 128>}, {transform_indices = @transform_1, window_bounds = array<i64: 1000, 128>}, {transform_indices = @transform_2, window_bounds = array<i64: 1000, 16>}, {transform_indices = @transform_3, window_bounds = array<i64: 1000, 256>}, {pipeline_mode = #tpu.pipeline_mode<synchronous>, transform_indices = @transform_4, window_bounds = array<i64: 256, 256>}, {pipeline_mode = #tpu.pipeline_mode<synchronous>, transform_indices = @transform_5, window_bounds = array<i64: 1, 256>}, {transform_indices = @transform_6, window_bounds = array<i64: 1000, 256>}]} {
    %get3A = arith.constant 0 : index
    %get3A_0 = arith.constant 0 : index
    %get3A_1 = vector.load %arg3[%get3A, %get3A_0] : memref<1000x16xf32, #tpu.memory_space<vmem>>, vector<1000x16xf32>
    %slice3A = vector.extract_strided_slice %get3A_1 {offsets = [0, 0], sizes = [1000, 1], strides = [1, 1]} : vector<1000x16xf32> to vector<1000x1xf32>
    %get3A_2 = arith.constant 0 : index
    %get3A_3 = arith.constant 0 : index
    %get3A_4 = vector.load %arg1[%get3A_2, %get3A_3] : memref<1000x128xf32, #tpu.memory_space<vmem>>, vector<1000x128xf32>
    %mul3A = vector.broadcast %slice3A : vector<1000x1xf32> to vector<1000x128xf32>
    %mul3A_5 = arith.mulf %get3A_4, %mul3A : vector<1000x128xf32>
    %get3A_6 = arith.constant 0 : index
    %get3A_7 = arith.constant 0 : index
    %get3A_8 = vector.load %arg2[%get3A_6, %get3A_7] : memref<1000x128xf32, #tpu.memory_space<vmem>>, vector<1000x128xf32>
    %mul3A_9 = vector.broadcast %slice3A : vector<1000x1xf32> to vector<1000x128xf32>
    %mul3A_10 = arith.mulf %get3A_8, %mul3A_9 : vector<1000x128xf32>
    %get3A_11 = arith.constant 0 : index
    %get3A_12 = arith.constant 0 : index
    %get3A_13 = vector.load %arg5[%get3A_11, %get3A_12] : memref<256x256xf32, #tpu.memory_space<vmem>>, vector<256x256xf32>
    %slice3A_14 = vector.extract_strided_slice %get3A_13 {offsets = [0, 0], sizes = [128, 256], strides = [1, 1]} : vector<256x256xf32> to vector<128x256xf32>
    %dot_general3A = arith.constant dense<0.000000e+00> : vector<1000x256xf32>
    %dot_general3A_15 = tpu.matmul %mul3A_5, %slice3A_14, %dot_general3A {dimension_numbers = #tpu.dot_dimension_numbers<[1], [0], [0], [1], [0, 0, 1, 1], [], []>, transpose_lhs_hint = false} : vector<1000x128xf32>, vector<128x256xf32>, vector<1000x256xf32> -> vector<1000x256xf32>
    %slice3A_16 = vector.extract_strided_slice %get3A_13 {offsets = [128, 0], sizes = [128, 256], strides = [1, 1]} : vector<256x256xf32> to vector<128x256xf32>
    %dot_general3A_17 = arith.constant dense<0.000000e+00> : vector<1000x256xf32>
    %dot_general3A_18 = tpu.matmul %mul3A_10, %slice3A_16, %dot_general3A_17 {dimension_numbers = #tpu.dot_dimension_numbers<[1], [0], [0], [1], [0, 0, 1, 1], [], []>, transpose_lhs_hint = false} : vector<1000x128xf32>, vector<128x256xf32>, vector<1000x256xf32> -> vector<1000x256xf32>
    %add3A = arith.addf %dot_general3A_15, %dot_general3A_18 : vector<1000x256xf32>
    %get3A_19 = arith.constant 0 : index
    %get3A_20 = arith.constant 0 : index
    %get3A_21 = vector.load %arg6[%get3A_19, %get3A_20] : memref<1x256xf32, #tpu.memory_space<vmem>>, vector<1x256xf32>
    %add3A_22 = vector.broadcast %get3A_21 : vector<1x256xf32> to vector<1000x256xf32>
    %add3A_23 = arith.addf %add3A, %add3A_22 : vector<1000x256xf32>
    %max3A = arith.constant 0.000000e+00 : f32
    %max3A_24 = vector.broadcast %max3A : f32 to vector<1000x256xf32>
    %max3A_25 = arith.maximumf %add3A_23, %max3A_24 : vector<1000x256xf32>
    %get3A_26 = arith.constant 0 : index
    %get3A_27 = arith.constant 0 : index
    %get3A_28 = vector.load %arg4[%get3A_26, %get3A_27] : memref<1000x256xf32, #tpu.memory_space<vmem>>, vector<1000x256xf32>
    %add3A_29 = arith.addf %max3A_25, %get3A_28 : vector<1000x256xf32>
    %swap3A = arith.constant 0 : index
    %swap3A_30 = arith.constant 0 : index
    %swap3A_31 = vector.load %arg7[%swap3A, %swap3A_30] : memref<1000x256xf32, #tpu.memory_space<vmem>>, vector<1000x256xf32>
    tpu.vector_store %arg7[%swap3A, %swap3A_30], %add3A_29 {strides = array<i32>} : memref<1000x256xf32, #tpu.memory_space<vmem>>, vector<1000x256xf32>,
    return
  }
  func.func @transform_0(%arg0: i32) -> (i32, i32) {
    %c0_i32 = arith.constant 0 : i32
    %c0_i32_0 = arith.constant 0 : i32
    return %arg0, %c0_i32 : i32, i32
  }
  func.func @transform_1(%arg0: i32) -> (i32, i32) {
    %c0_i32 = arith.constant 0 : i32
    %c0_i32_0 = arith.constant 0 : i32
    return %arg0, %c0_i32 : i32, i32
  }
  func.func @transform_2(%arg0: i32) -> (i32, i32) {
    %c0_i32 = arith.constant 0 : i32
    %c0_i32_0 = arith.constant 0 : i32
    return %arg0, %c0_i32 : i32, i32
  }
  func.func @transform_3(%arg0: i32) -> (i32, i32) {
    %c0_i32 = arith.constant 0 : i32
    %c0_i32_0 = arith.constant 0 : i32
    return %arg0, %c0_i32 : i32, i32
  }
  func.func @transform_4(%arg0: i32) -> (i32, i32) {
    %c0_i32 = arith.constant 0 : i32
    %c0_i32_0 = arith.constant 0 : i32
    %c0_i32_1 = arith.constant 0 : i32
    return %c0_i32, %c0_i32_0 : i32, i32
  }
  func.func @transform_5(%arg0: i32) -> (i32, i32) {
    %c0_i32 = arith.constant 0 : i32
    %c0_i32_0 = arith.constant 0 : i32
    %c0_i32_1 = arith.constant 0 : i32
    return %c0_i32, %c0_i32_0 : i32, i32
  }
  func.func @transform_6(%arg0: i32) -> (i32, i32) {
    %c0_i32 = arith.constant 0 : i32
    %c0_i32_0 = arith.constant 0 : i32
    return %arg0, %c0_i32 : i32, i32
  }
}

</mosaic_0001>

<sc_bundles>
// kernel: kernel.11.cloned.1.call-start
scs
__scs_entry_jumppad:
0x0: {  	(pc) =	sbr.rel $0x88, $3  }
0x1: {  	(tag) =	ssettag $0x0;
	lr =	simm.s32 $0x1  }
0x2: {  	[smem:$0x3F97] =	sst lr;
	_ =	strace $0xD0000000  }
0x3: {  	_ = 	snop  }
0x4: {  	_ = 	snop  }
0x5: {  	_ = 	snop  }
0x6: {  	_ = 	snop  }
0x7: {  	_ = 	snop  }
__scs_overlays_trampoline_lowered:
0x8: {  	[smem:$0x3FA6] =	sst s0  }
0x9: {  	[smem:$0x3FA7] =	sst s1  }
0xa: {  	[smem:$0x3FA8] =	sst s2  }
0xb: {  	[smem:$0x3FA9] =	sst s3  }
0xc: {  	[smem:$0x3FAA] =	sst s4  }
0xd: {  	[smem:$0x3FAB] =	sst s5  }
0xe: {  	[smem:$0x3FAC] =	sst s6  }
0xf: {  	[smem:$0x3FAD] =	sst s7  }
0x10: {  	[smem:$0x3FAE] =	sst s8  }
0x11: {  	[smem:$0x3FAF] =	sst s9;
	s0 =	simm.s32 @!p0 $0x0  }
0x12: {  	s1 =	sld [smem:$0x3F95];
	s0 =	simm.s32 @p0 $0x1  }
0x13: {  	[smem:$0x3FB0] =	sst s0;
	s0 =	simm.s32 @!p1 $0x0  }
0x14: {  	s2 =	sld [smem:$0x3F94];
	s0 =	simm.s32 @p1 $0x1  }
0x15: {  	[smem:$0x3FB1] =	sst s0;
	s0 =	simm.s32 @!p2 $0x0  }
0x16: {  	s3 =	sld [smem:$0x3FDB];
	s0 =	simm.s32 @p2 $0x1  }
0x17: {  	s4 =	simm.s32 $0x1BF5;
	[smem:$0x3FB3] =	sst s0  }
0x18: {  	s0 =	sld [smem:$0x3F96];
	_ =	swait.ge [sflag:s4], $0x0  }
0x19: {  	s7 =	sld [smem:$0x3F97]  }
0x1a: {  	s8 =	sadd.s32 $0xFFFFE003, lr  }
0x1b: {  	s9 =	sadd.s32 $0xFFFFFEF7, lr;
	s5 =	simm.s32 $0xFFFFFFFF;
	p2 =	slt.u32 s8, $0xFFFFF086  }
0x1c: {  	p1 =	slt.u32 s9, $0xF7A;
	s5 =	simm.s32 @!p2 $0x0  }
0x1d: {  	s5 =	simm.s32 @p1 $0x1;
	p0 =	seq.s32 s7, s2  }
0x1e: {  	s7 =	smul.u32 @!p0 $0xF7A, s2;
	p2 =	seq.s32 @!p0 s5, $0x0  }
0x1f: {  	s9 =	smul.u32 $0xF7A, s1;
	s8 =	simm.s32 @!p0 $0x1BF5;
	p2 =	por !p2, p0  }
0x20: {  	[sflag:s8] =	ssyncset.s32 @!p0 $0xFFFFF086;
	s6 =	sadd.s32 @!p0 s3, s7;
	s7 =	simm.s32 @!p0 $0x108  }
0x21: {  	s3 =	sadd.s32 s3, s9;
	s6 =	sadd.s32 @!p0 $0x88, s6;
	s7 =	simm.s32 @p2 $0x1082  }
0x22: {  	[simem:s7], [sflag:s8] =	dma.local @!p0 [hbm:s6], $0xF7A  }
0x23: {  	s9 =	sor.u32 $0xD0000000, s2;
	s6 =	simm.s32 $0x108;
	_ =	swait.ge @!p0 [sflag:s8], $0x0  }
0x24: {  	s3 =	sadd.s32 $0x88, s3;
	s6 =	simm.s32 @!p1 $0x1082;
	[sflag:s4] =	ssyncset.s32 $0xFFFFF086  }
0x25: {  	[simem:s6], [sflag:s4] =	dma.local [hbm:s3], $0xF7A  }
0x26: {  	[smem:$0x3F97] =	sst s1;
	(tag) =	ssettag s2;
	_ =	strace s9  }
0x27: {  	s1 =	sld [smem:$0x3FA7]  }
0x28: {  	s2 =	sld [smem:$0x3FA8]  }
0x29: {  	s4 =	sld [smem:$0x3FAA]  }
0x2a: {  	p0 =	seq.s32 s5, $0x0;
	s5 =	sld [smem:$0x3FAB]  }
0x2b: {  	s6 =	sld [smem:$0x3FAC]  }
0x2c: {  	s7 =	sld [smem:$0x3FAD]  }
0x2d: {  	s3 =	simm.s32 $0x108;
	s8 =	sld [smem:$0x3FAE]  }
0x2e: {  	s3 =	simm.s32 @!p0 $0x1082;
	s9 =	sld [smem:$0x3FAF]  }
0x2f: {  	lr =	sadd.s32 s0, s3;
	s0 =	sld [smem:$0x3FA6]  }
0x30: {  	s3 =	sld [smem:$0x3FA9]  }
0x31: {  	[smem:$0x3FB2] =	sst s10  }
0x32: {  	s10 =	sld [smem:$0x3FB0];
	_ =	sdelay $0x3  }
0x33: {  	p0 =	seq.s32 s10, $0x1;
	s10 =	sld [smem:$0x3FB2];
	_ =	sdelay $0x3  }
0x34: {  	[smem:$0x3FB2] =	sst s10  }
0x35: {  	s10 =	sld [smem:$0x3FB1];
	_ =	sdelay $0x3  }
0x36: {  	p1 =	seq.s32 s10, $0x1;
	s10 =	sld [smem:$0x3FB2];
	_ =	sdelay $0x3  }
0x37: {  	[smem:$0x3FB2] =	sst s10  }
0x38: {  	s10 =	sld [smem:$0x3FB3]  }
0x39: {  	_ = 	snop;
	(pc) =	sbr.ind lr, $3  }
0x3a: {  	_ = 	snop  }
0x3b: {  	_ = 	snop  }
0x3c: {  	p2 =	seq.s32 s10, $0x1;
	s10 =	sld [smem:$0x3FB2]  }
0x3d: {  	_ =	shalt  }
0x3e: {  	_ =	shalt  }
0x3f: {  	_ =	shalt  }
0x40: {  	_ =	shalt  }
0x41: {  	_ =	shalt  }
0x42: {  	_ =	shalt  }
0x43: {  	_ =	shalt  }
0x44: {  	_ =	shalt  }
0x45: {  	_ =	shalt  }
0x46: {  	_ =	shalt  }
0x47: {  	_ =	shalt  }
0x48: {  	_ =	shalt  }
0x49: {  	_ =	shalt  }
0x4a: {  	_ =	shalt  }
0x4b: {  	_ =	shalt  }
0x4c: {  	_ =	shalt  }
0x4d: {  	_ =	shalt  }
0x4e: {  	_ =	shalt  }
0x4f: {  	_ =	shalt  }
0x50: {  	_ =	shalt  }
0x51: {  	_ =	shalt  }
0x52: {  	_ =	shalt  }
0x53: {  	_ =	shalt  }
0x54: {  	_ =	shalt  }
0x55: {  	_ =	shalt  }
0x56: {  	_ =	shalt  }
0x57: {  	_ =	shalt  }
0x58: {  	_ =	shalt  }
0x59: {  	_ =	shalt  }
0x5a: {  	_ =	shalt  }
0x5b: {  	_ =	shalt  }
0x5c: {  	_ =	shalt  }
0x5d: {  	_ =	shalt  }
0x5e: {  	_ =	shalt  }
0x5f: {  	_ =	shalt  }
0x60: {  	_ =	shalt  }
0x61: {  	_ =	shalt  }
0x62: {  	_ =	shalt  }
0x63: {  	_ =	shalt  }
0x64: {  	_ =	shalt  }
0x65: {  	_ =	shalt  }
0x66: {  	_ =	shalt  }
0x67: {  	_ =	shalt  }
0x68: {  	_ =	shalt  }
0x69: {  	_ =	shalt  }
0x6a: {  	_ =	shalt  }
0x6b: {  	_ =	shalt  }
0x6c: {  	_ =	shalt  }
0x6d: {  	_ =	shalt  }
0x6e: {  	_ =	shalt  }
0x6f: {  	_ =	shalt  }
0x70: {  	_ =	shalt  }
0x71: {  	_ =	shalt  }
0x72: {  	_ =	shalt  }
0x73: {  	_ =	shalt  }
0x74: {  	_ =	shalt  }
0x75: {  	_ =	shalt  }
0x76: {  	_ =	shalt  }
0x77: {  	_ =	shalt  }
0x78: {  	_ =	shalt  }
0x79: {  	_ =	shalt  }
0x7a: {  	_ =	shalt  }
0x7b: {  	_ =	shalt  }
0x7c: {  	_ =	shalt  }
0x7d: {  	_ =	shalt  }
0x7e: {  	_ =	shalt  }
0x7f: {  	_ =	shalt  }
0x80: {  	_ =	shalt  }
0x81: {  	_ =	shalt  }
0x82: {  	_ =	shalt  }
0x83: {  	_ =	shalt  }
0x84: {  	_ =	shalt  }
0x85: {  	_ =	shalt  }
0x86: {  	_ =	shalt  }
0x87: {  	_ =	shalt  }
.Lfunc_end0:
.L_simem_size_0:
called_computation.1_lowered:
.L_overlay_start_0:
0x88: {  	s2 =	sld [smem:$0x3FD9]  }
0x89: {  	s3 =	sld [smem:$0x3FFE];
	_ =	sdelay $0x1  }
0x8a: {  	s1 =	srdreg.scid  }
0x8b: {  	s0 =	sand.u32 $0x1, s1  }
0x8c: {  	s16 =	sshll.u32 s0, $0xA;
	s2 =	sadd.s32 s3, s2  }
0x8d: {  	s2 =	sadd.s32 s2, s16  }
0x8e: {  	[smem:$0x3FBE] =	sst s2  }
0x8f: {  	_ = 	snop  }
0x90: {  	(tm) =	ssettm $0x1  }
0x91: {  	s17 =	sld [smem:$0x3FFB];
	_ =	sdelay $0x3  }
0x92: {  	_ =	strace s17  }
0x93: {  	s2 =	sld [smem:$0x3FFC];
	_ =	sdelay $0x3  }
0x94: {  	_ =	strace s2  }
0x95: {  	s2 =	sld [smem:$0x3FFD];
	_ =	sdelay $0x3  }
0x96: {  	_ =	strace s2  }
0x97: {  	_ =	strace $0x8FFFFFFF  }
0x98: {  	s18 =	sld [smem:$0x3FDB];
	_ =	sdelay $0x1  }
0x99: {  	s19 =	simm.s32 $_scs_section_size  }
0x9a: {  	s4 =	simm.s32 $_size__tile_overlayer_lowered;
	s5 =	simm.s32 $_tile_overlayer_lowered  }
0x9b: {  	s22 =	simm.s32 $0x1BFF;
	s21 =	sshll.u32 s5, $0x1;
	s2 =	sadd.s32 s19, s18  }
0x9c: {  	s6 =	simm.s32 $0x0;
	s20 =	sshll.u32 s4, $0x1;
	s4 =	sadd.s32 s21, s2  }
0x9d: {  	[timem:s6], [sflag:s22] =	dma.local [hbm:s4], s20  }
0x9e: {  	_ =	swait.ge [sflag:s22], s20  }
0x9f: {  	s3 =	ssub.s32 $0x0, s20;
	[sflag:s22] =	ssyncset.done $0x0  }
0xa0: {  	[sflag:s22] =	ssyncadd.s32 s3;
	_ =	sdelay $0x1  }
0xa1: {  	s23 =	simm.s32 $0x1B8B  }
0xa2: {  	_ =	swait.ge [sflag:s23], $0x1  }
0xa3: {  	[sflag:s23] =	ssyncset.done $0x0  }
0xa4: {  	s25 =	simm.s32 $0x1B8E;
	s24 =	sld [smem:$0x3FFE];
	[sflag:s23] =	ssyncadd.s32 $0xFFFFFFFF  }
0xa5: {  	s26 =	simm.s32 $execute0_lowered;
	[smem:$0x3FD2] =	sst s25  }
0xa6: {  	s4 =	sshll.u32 s26, $0x1;
	_ =	strace $0x80000049;
	[dreg:$0x1] =	wrdreg $0xFFFFFFFF  }
0xa7: {  	s28 =	simm.s32 $_size_execute0_lowered;
	s2 =	sadd.s32 s2, s4;
	[dreg:$0x0] =	wrdreg $0x0  }
0xa8: {  	s4 =	sshll.u32 s28, $0x1;
	[dreg:$0x2] =	wrdreg s2  }
0xa9: {  	[dreg:$0x3] =	wrdreg s4  }
0xaa: {  	[dreg:$0x4] =	wrdreg $0xC0  }
0xab: {  	_ =	task [dreg:s6], $0x5FFFF  }
0xac: {  	[dreg:$0x1] =	wrdreg $0xFFFFFFFF  }
0xad: {  	[dreg:$0x0] =	wrdreg $0x60  }
0xae: {  	[dreg:$0x2] =	wrdreg s24  }
0xaf: {  	[dreg:$0x3] =	wrdreg $0x90000  }
0xb0: {  	[dreg:$0x4] =	wrdreg $0x9  }
0xb1: {  	_ =	task.clear_ibuf [dreg:s6], $0x5FFFF;
	_ =	strace $0x90000049  }
0xb2: {  	s29 =	simm.s32 $0x9;
	_ =	strace $0x8000004B  }
0xb3: {  	_ =	swait.ge [sflag:s29], $0x1  }
0xb4: {  	[sflag:s29] =	ssyncadd.s32 $0xFFFFFFFF  }
0xb5: {  	_ =	strace $0x9000004B  }
0xb6: {  	_ =	sfence  }
0xb7: {  	s30 =	sld [smem:$0x0];
	_ =	sdelay $0x2  }
0xb8: {  	s31 =	sshll.u32 s1, $0xD;
	s1 =	sshrl.u32 s1, $0x2  }
0xb9: {  	s3 =	sand.u32 $0x4000, s31;
	s1 =	sadd.s32 s1, s30  }
0xba: {  	s0 =	sor.u32 s3, s0;
	s1 =	sshll.u32 s1, $0x11  }
0xbb: {  	s0 =	sor.u32 s1, s0  }
0xbc: {  	s0 =	sadd.s32 $0x8F2B, s0  }
0xbd: {  	[sflag:s0] =	ssyncadd.remote.s32 $0x1  }
0xbe: {  	_ =	sfence.sel $0xFFFF  }
0xbf: {  	[dreg:$0x0] =	wrdreg $0xFFFFFFFF;
	(pc) =	sbr.abs _section_cstart, $3  }
0xc0: {  	[dreg:$0x1] =	wrdreg $0xFFFFFFFF  }
0xc1: {  	_ =	task.clear_ibuf [dreg:s6], $0x2FFFF;
	_ =	strace $0x9FFFFFFF  }
0xc2: {  	(tm) =	ssettm $0x7FFFFFFF  }
0xc3: {  	_ =	shalt  }
tec
execute0_lowered:
.L_overlay_start_1:
0x0: {  	(tag) =	ssettag $0x1  }
0x1: {  	s6 =	rddreg [dreg:$0x0]  }
0x2: {  	s2 =	rddreg [dreg:$0x1]  }
0x3: {  	s0 =	rddreg [dreg:$0x2];
	s3 =	simm.s32 $0x0  }
0x4: {  	s1 =	stileid.u32;
	s7 =	srdreg.scid;
	s18 =	simm.s32 $0x0  }
0x5: {  	[smem:$0x7FF] =	sst s3;
	s5 =	smul.u32 $0x500, s1;
	s4 =	sadd.s32 $0xB400, s6  }
0x6: {  	s9 =	sadd.s32 $0x3CC00, s6;
	s10 =	sand.u32 $0x1, s7;
	s11 =	smul.u32 $0x50000, s1  }
0x7: {  	s12 =	sadd.s32 $0x63E00, s6;
	s13 =	sadd.s32 $0x8B600, s6;
	s15 =	smul.u32 $0x4F000, s1  }
0x8: {  	s30 =	smul.u32 $0x2780, s1;
	s31 =	sshll.u32 s1, $0x6;
	_ =	strace $0x8000004A  }
0x9: {  	s7 =	ssub.s32 $0x2, s10;
	p0 =	seq.s32 s10, $0x1;
	s10 =	simm.s32 $0x2  }
0xa: {  	s8 =	sadd.s32 s5, s6;
	s5 =	sadd.s32 $0x8C00, s6;
	s28 =	sshrl.u32 s7, $0x1  }
0xb: {  	s11 =	sshrl.u32 s11, $0x2;
	s29 =	sshrl.u32 s15, $0x2;
	s12 =	smov.u32 @p0 s13  }
0xc: {  	s4 =	smov.u32 @p0 s9;
	s15 =	simm.s32 $0x5000;
	s14 =	ssub.s32 s7, s28  }
0xd: {  	s6 =	sadd.s32 $0x32C00, s8;
	s7 =	sadd.s32 $0x37C00, s8;
	s16 =	sadd.s32 s11, s2  }
0xe: {  	s17 =	sadd.s32 s29, s2;
	s9 =	sadd.s32 s12, s30;
	s11 =	simm.s32 $0x2800  }
0xf: {  	s12 =	sor.u32 $0x1C02, s31;
	s8 =	smax.u32 s14, $0x1;
	s13 =	sshrl.u32 s16, $0x3  }
0x10: {  	s14 =	simm.s32 $0x80;
	s16 =	simm.s32 $0x1;
	s17 =	sshrl.u32 s17, $0x3  }
.LBB2_1:
0x11: {  	[tilespmem:s3], [sflag:$0x2] =	stream.linear.gather [hbm4b:s6+s3], $0x2780, $0x38;
	[tilespmem:$0x1D000] =	vst v63  }
0x12: {  	_ =	swait.ge [sflag:s10], $0x2780  }
0x13: {  	[sflag:s10] =	ssyncset.done $0x0  }
0x14: {  	[sflag:s10] =	ssyncadd.s32 $0xFFFFD880  }
0x15: {  	[tilespmem:s11], [sflag:$0x2] =	stream.linear.gather [hbm4b:s7+s3], $0x2780, $0x38;
	[tilespmem:$0x1D000] =	vst v63  }
0x16: {  	_ =	swait.ge [sflag:s10], $0x2780  }
0x17: {  	[sflag:s10] =	ssyncset.done $0x0  }
0x18: {  	[sflag:s10] =	ssyncadd.s32 $0xFFFFD880  }
0x19: {  	[spmem:s13], [sflag:s12] =	dma.local [hbm:s5], $0x2800  }
0x1a: {  	_ =	swait.ge [sflag:s10], $0x2800  }
0x1b: {  	[sflag:s10] =	ssyncset.done $0x0  }
0x1c: {  	[sflag:s10] =	ssyncadd.s32 $0xFFFFD800  }
0x1d: {  	s19 =	simm.s32 $0x0;
	[bflag:$0x0] =	sbarrier.arrive $0xFFFF  }
0x1e: {  	[tilespmem:s15], [sflag:$0x1] =	stream.indirect.gather [hbm4b:s4+s14], $0x80, s19, s14, $0xb8;
	[tilespmem:$0x1D000] =	vst v63  }
0x1f: {  	_ =	swait.ge [sflag:s16], $0x4000  }
0x20: {  	[sflag:s16] =	ssyncset.done $0x0  }
0x21: {  	s31 =	simm.s32 $0x2800;
	[sflag:s16] =	ssyncadd.s32 $0xFFFFC000  }
0x22: {  	[spmem:s2] =	stream.indirect.scatter.add.f32 [tilespmem:s15], [sflag:$0x2], $0x80, s31, s14, $0xb8;
	[tilespmem:$0x1D000] =	vst v63  }
0x23: {  	_ =	swait.ge [sflag:s10], $0x4000  }
0x24: {  	s20 =	simm.s32 $0x400;
	s19 =	simm.s32 $0x200;
	[sflag:s10] =	ssyncset.done $0x0  }
.LBB2_2:
0x25: {  	s21 =	sshra.s32 s19, $0x2  }
0x26: {  	[sflag:s10] =	ssyncadd.s32 $0xFFFFC000;
	s19 =	smov.u32 s20;
	s22 =	sadd.s32 $0x200, s20  }
0x27: {  	[tilespmem:s15], [sflag:$0x1] =	stream.indirect.gather [hbm4b:s4+s14], $0x80, s21, s14, $0xb8;
	[tilespmem:$0x1D000] =	vst v63  }
0x28: {  	p0 =	sne.s32 s20, $0x9C00;
	_ =	swait.ge [sflag:s16], $0x4000  }
.Ltmp0:
0x29: {  	[sflag:s16] =	ssyncset.done $0x0;
	(pc) =	sbr.rel @p0 .LBB2_2-.Ltmp0, $4  }
0x2a: {  	s20 =	sadd.s32 $0x2800, s21;
	[sflag:s16] =	ssyncadd.s32 $0xFFFFC000  }
0x2b: {  	[spmem:s2] =	stream.indirect.scatter.add.f32 [tilespmem:s15], [sflag:$0x2], $0x80, s20, s14, $0xb8;
	[tilespmem:$0x1D000] =	vst v63  }
0x2c: {  	_ =	swait.ge [sflag:s10], $0x4000  }
0x2d: {  	s20 =	smov.u32 s22;
	[sflag:s10] =	ssyncset.done $0x0  }
0x2e: {  	s19 =	sshra.s32 s19, $0x2;
	[sflag:s10] =	ssyncadd.s32 $0xFFFFC000  }
0x2f: {  	[tilespmem:s15], [sflag:$0x1] =	stream.indirect.gather [hbm4b:s4+s14], $0x80, s19, s14, $0xb8;
	[tilespmem:$0x1D000] =	vst v63  }
0x30: {  	_ =	swait.ge [sflag:s16], $0x4000  }
0x31: {  	[sflag:s16] =	ssyncset.done $0x0  }
0x32: {  	s19 =	sadd.s32 $0x2800, s19;
	[sflag:s16] =	ssyncadd.s32 $0xFFFFC000  }
0x33: {  	[spmem:s2] =	stream.indirect.scatter.add.f32 [tilespmem:s15], [sflag:$0x2], $0x80, s19, s14, $0xb8;
	[tilespmem:$0x1D000] =	vst v63  }
0x34: {  	_ =	swait.ge [sflag:s10], $0x4000  }
0x35: {  	s18 =	sadd.s32 $0x1, s18;
	[sflag:s10] =	ssyncset.done $0x0  }
0x36: {  	p0 =	sne.s32 s18, s8;
	[sflag:s10] =	ssyncadd.s32 $0xFFFFC000  }
.Ltmp1:
0x37: {  	[bflag:$0x0] =	sbarrier.arrive $0xFFFF;
	(pc) =	sbr.rel @p0 .LBB2_1-.Ltmp1, $4  }
0x38: {  	[hbm:s9], [sflag:s12] =	dma.local [spmem:s17], $0x2780  }
0x39: {  	_ =	swait.ge [sflag:s10], $0x2780  }
0x3a: {  	[sflag:s10] =	ssyncset.done $0x0  }
0x3b: {  	[sflag:s10] =	ssyncadd.s32 $0xFFFFD880  }
0x3c: {  	_ =	sfence.sel $0x180000  }
0x3d: {  	[bflag:$0x0] =	sbarrier.arrive $0xFFFF  }
0x3e: {  	p0 =	sne.s32 s1, $0x0;
	_ =	strace $0x9000004A  }
0x3f: {  	s0 =	sadd.s32 @!p0 $0x100000, s0;
	[bflag:$0x2] =	sbarrier.arrive $0xFFFF  }
0x40: {  	[sflag:s0] =	ssyncadd.tile.s32 @!p0 $0x1;
	_ =	shalt  }
.Lfunc_end2:
_tile_overlayer_lowered:
.L_overlay_start_2:
0x41: {  	(tag) =	ssettag $0x2  }
0x42: {  	s0 =	rddreg [dreg:$0x0];
	s2 =	stileid.u32  }
0x43: {  	s1 =	rddreg [dreg:$0x1];
	p0 =	sne.s32 s2, $0x0  }
0x44: {  	s3 =	rddreg [dreg:$0x2];
	[bflag:$0x3] =	sbarrier.arrive $0xFFFF;
	s2 =	simm.s32 @!p0 $0x1C02  }
0x45: {  	[timem:s3], [sflag:s2] =	dma.local @!p0 [hbm:s0], s1  }
0x46: {  	s0 =	simm.s32 @!p0 $0x2  }
0x47: {  	_ =	swait.ge @!p0 [sflag:s0], s1  }
0x48: {  	s1 =	ssub.s32 @!p0 $0x0, s1;
	[sflag:s0] =	ssyncset.done @!p0 $0x0  }
0x49: {  	[sflag:s0] =	ssyncadd.s32 @!p0 s1  }
0x4a: {  	[bflag:$0x3] =	sbarrier.arrive $0xFFFF  }
0x4b: {  	_ =	shalt  }

// kernel: kernel.14.cloned.1.call-start
scs
__scs_entry_jumppad:
0x0: {  	(pc) =	sbr.rel $0x88, $3  }
0x1: {  	(tag) =	ssettag $0x0;
	lr =	simm.s32 $0x1  }
0x2: {  	[smem:$0x3F97] =	sst lr;
	_ =	strace $0xD0000000  }
0x3: {  	_ = 	snop  }
0x4: {  	_ = 	snop  }
0x5: {  	_ = 	snop  }
0x6: {  	_ = 	snop  }
0x7: {  	_ = 	snop  }
__scs_overlays_trampoline_lowered:
0x8: {  	[smem:$0x3FA6] =	sst s0  }
0x9: {  	[smem:$0x3FA7] =	sst s1  }
0xa: {  	[smem:$0x3FA8] =	sst s2  }
0xb: {  	[smem:$0x3FA9] =	sst s3  }
0xc: {  	[smem:$0x3FAA] =	sst s4  }
0xd: {  	[smem:$0x3FAB] =	sst s5  }
0xe: {  	[smem:$0x3FAC] =	sst s6  }
0xf: {  	[smem:$0x3FAD] =	sst s7  }
0x10: {  	[smem:$0x3FAE] =	sst s8  }
0x11: {  	[smem:$0x3FAF] =	sst s9;
	s0 =	simm.s32 @!p0 $0x0  }
0x12: {  	s1 =	sld [smem:$0x3F95];
	s0 =	simm.s32 @p0 $0x1  }
0x13: {  	[smem:$0x3FB0] =	sst s0;
	s0 =	simm.s32 @!p1 $0x0  }
0x14: {  	s2 =	sld [smem:$0x3F94];
	s0 =	simm.s32 @p1 $0x1  }
0x15: {  	[smem:$0x3FB1] =	sst s0;
	s0 =	simm.s32 @!p2 $0x0  }
0x16: {  	s3 =	sld [smem:$0x3FDB];
	s0 =	simm.s32 @p2 $0x1  }
0x17: {  	s4 =	simm.s32 $0x1BF5;
	[smem:$0x3FB3] =	sst s0  }
0x18: {  	s0 =	sld [smem:$0x3F96];
	_ =	swait.ge [sflag:s4], $0x0  }
0x19: {  	s7 =	sld [smem:$0x3F97]  }
0x1a: {  	s8 =	sadd.s32 $0xFFFFE003, lr  }
0x1b: {  	s9 =	sadd.s32 $0xFFFFFEF7, lr;
	s5 =	simm.s32 $0xFFFFFFFF;
	p2 =	slt.u32 s8, $0xFFFFF086  }
0x1c: {  	p1 =	slt.u32 s9, $0xF7A;
	s5 =	simm.s32 @!p2 $0x0  }
0x1d: {  	s5 =	simm.s32 @p1 $0x1;
	p0 =	seq.s32 s7, s2  }
0x1e: {  	s7 =	smul.u32 @!p0 $0xF7A, s2;
	p2 =	seq.s32 @!p0 s5, $0x0  }
0x1f: {  	s9 =	smul.u32 $0xF7A, s1;
	s8 =	simm.s32 @!p0 $0x1BF5;
	p2 =	por !p2, p0  }
0x20: {  	[sflag:s8] =	ssyncset.s32 @!p0 $0xFFFFF086;
	s6 =	sadd.s32 @!p0 s3, s7;
	s7 =	simm.s32 @!p0 $0x108  }
0x21: {  	s3 =	sadd.s32 s3, s9;
	s6 =	sadd.s32 @!p0 $0x88, s6;
	s7 =	simm.s32 @p2 $0x1082  }
0x22: {  	[simem:s7], [sflag:s8] =	dma.local @!p0 [hbm:s6], $0xF7A  }
0x23: {  	s9 =	sor.u32 $0xD0000000, s2;
	s6 =	simm.s32 $0x108;
	_ =	swait.ge @!p0 [sflag:s8], $0x0  }
0x24: {  	s3 =	sadd.s32 $0x88, s3;
	s6 =	simm.s32 @!p1 $0x1082;
	[sflag:s4] =	ssyncset.s32 $0xFFFFF086  }
0x25: {  	[simem:s6], [sflag:s4] =	dma.local [hbm:s3], $0xF7A  }
0x26: {  	[smem:$0x3F97] =	sst s1;
	(tag) =	ssettag s2;
	_ =	strace s9  }
0x27: {  	s1 =	sld [smem:$0x3FA7]  }
0x28: {  	s2 =	sld [smem:$0x3FA8]  }
0x29: {  	s4 =	sld [smem:$0x3FAA]  }
0x2a: {  	p0 =	seq.s32 s5, $0x0;
	s5 =	sld [smem:$0x3FAB]  }
0x2b: {  	s6 =	sld [smem:$0x3FAC]  }
0x2c: {  	s7 =	sld [smem:$0x3FAD]  }
0x2d: {  	s3 =	simm.s32 $0x108;
	s8 =	sld [smem:$0x3FAE]  }
0x2e: {  	s3 =	simm.s32 @!p0 $0x1082;
	s9 =	sld [smem:$0x3FAF]  }
0x2f: {  	lr =	sadd.s32 s0, s3;
	s0 =	sld [smem:$0x3FA6]  }
0x30: {  	s3 =	sld [smem:$0x3FA9]  }
0x31: {  	[smem:$0x3FB2] =	sst s10  }
0x32: {  	s10 =	sld [smem:$0x3FB0];
	_ =	sdelay $0x3  }
0x33: {  	p0 =	seq.s32 s10, $0x1;
	s10 =	sld [smem:$0x3FB2];
	_ =	sdelay $0x3  }
0x34: {  	[smem:$0x3FB2] =	sst s10  }
0x35: {  	s10 =	sld [smem:$0x3FB1];
	_ =	sdelay $0x3  }
0x36: {  	p1 =	seq.s32 s10, $0x1;
	s10 =	sld [smem:$0x3FB2];
	_ =	sdelay $0x3  }
0x37: {  	[smem:$0x3FB2] =	sst s10  }
0x38: {  	s10 =	sld [smem:$0x3FB3]  }
0x39: {  	_ = 	snop;
	(pc) =	sbr.ind lr, $3  }
0x3a: {  	_ = 	snop  }
0x3b: {  	_ = 	snop  }
0x3c: {  	p2 =	seq.s32 s10, $0x1;
	s10 =	sld [smem:$0x3FB2]  }
0x3d: {  	_ =	shalt  }
0x3e: {  	_ =	shalt  }
0x3f: {  	_ =	shalt  }
0x40: {  	_ =	shalt  }
0x41: {  	_ =	shalt  }
0x42: {  	_ =	shalt  }
0x43: {  	_ =	shalt  }
0x44: {  	_ =	shalt  }
0x45: {  	_ =	shalt  }
0x46: {  	_ =	shalt  }
0x47: {  	_ =	shalt  }
0x48: {  	_ =	shalt  }
0x49: {  	_ =	shalt  }
0x4a: {  	_ =	shalt  }
0x4b: {  	_ =	shalt  }
0x4c: {  	_ =	shalt  }
0x4d: {  	_ =	shalt  }
0x4e: {  	_ =	shalt  }
0x4f: {  	_ =	shalt  }
0x50: {  	_ =	shalt  }
0x51: {  	_ =	shalt  }
0x52: {  	_ =	shalt  }
0x53: {  	_ =	shalt  }
0x54: {  	_ =	shalt  }
0x55: {  	_ =	shalt  }
0x56: {  	_ =	shalt  }
0x57: {  	_ =	shalt  }
0x58: {  	_ =	shalt  }
0x59: {  	_ =	shalt  }
0x5a: {  	_ =	shalt  }
0x5b: {  	_ =	shalt  }
0x5c: {  	_ =	shalt  }
0x5d: {  	_ =	shalt  }
0x5e: {  	_ =	shalt  }
0x5f: {  	_ =	shalt  }
0x60: {  	_ =	shalt  }
0x61: {  	_ =	shalt  }
0x62: {  	_ =	shalt  }
0x63: {  	_ =	shalt  }
0x64: {  	_ =	shalt  }
0x65: {  	_ =	shalt  }
0x66: {  	_ =	shalt  }
0x67: {  	_ =	shalt  }
0x68: {  	_ =	shalt  }
0x69: {  	_ =	shalt  }
0x6a: {  	_ =	shalt  }
0x6b: {  	_ =	shalt  }
0x6c: {  	_ =	shalt  }
0x6d: {  	_ =	shalt  }
0x6e: {  	_ =	shalt  }
0x6f: {  	_ =	shalt  }
0x70: {  	_ =	shalt  }
0x71: {  	_ =	shalt  }
0x72: {  	_ =	shalt  }
0x73: {  	_ =	shalt  }
0x74: {  	_ =	shalt  }
0x75: {  	_ =	shalt  }
0x76: {  	_ =	shalt  }
0x77: {  	_ =	shalt  }
0x78: {  	_ =	shalt  }
0x79: {  	_ =	shalt  }
0x7a: {  	_ =	shalt  }
0x7b: {  	_ =	shalt  }
0x7c: {  	_ =	shalt  }
0x7d: {  	_ =	shalt  }
0x7e: {  	_ =	shalt  }
0x7f: {  	_ =	shalt  }
0x80: {  	_ =	shalt  }
0x81: {  	_ =	shalt  }
0x82: {  	_ =	shalt  }
0x83: {  	_ =	shalt  }
0x84: {  	_ =	shalt  }
0x85: {  	_ =	shalt  }
0x86: {  	_ =	shalt  }
0x87: {  	_ =	shalt  }
.Lfunc_end0:
.L_simem_size_0:
called_computation.2_lowered:
.L_overlay_start_0:
0x88: {  	s2 =	sld [smem:$0x3FD9]  }
0x89: {  	s3 =	sld [smem:$0x3FFE];
	_ =	sdelay $0x1  }
0x8a: {  	s1 =	srdreg.scid  }
0x8b: {  	s0 =	sand.u32 $0x1, s1  }
0x8c: {  	s17 =	sshll.u32 s0, $0xA;
	s2 =	sadd.s32 s3, s2  }
0x8d: {  	s2 =	sadd.s32 s2, s17  }
0x8e: {  	[smem:$0x3FBE] =	sst s2  }
0x8f: {  	_ = 	snop  }
0x90: {  	s2 =	sld [smem:$0x3FD0];
	(tm) =	ssettm $0x1  }
0x91: {  	s18 =	sld [smem:$0x3FFB];
	_ =	sdelay $0x3  }
0x92: {  	_ =	strace s18  }
0x93: {  	s3 =	sld [smem:$0x3FFC];
	_ =	sdelay $0x3  }
0x94: {  	_ =	strace s3  }
0x95: {  	s3 =	sld [smem:$0x3FFD];
	_ =	sdelay $0x3  }
0x96: {  	_ =	strace s3  }
0x97: {  	_ =	strace $0x8FFFFFFF  }
0x98: {  	s19 =	sld [smem:$0x3FDB];
	_ =	sdelay $0x1  }
0x99: {  	s4 =	simm.s32 $_scs_section_size  }
0x9a: {  	s5 =	simm.s32 $_size__tile_overlayer_lowered;
	s6 =	simm.s32 $_tile_overlayer_lowered  }
0x9b: {  	s22 =	simm.s32 $0x1BFF;
	s21 =	sshll.u32 s6, $0x1;
	s3 =	sadd.s32 s4, s19  }
0x9c: {  	s7 =	simm.s32 $0x0;
	s20 =	sshll.u32 s5, $0x1;
	s5 =	sadd.s32 s21, s3  }
0x9d: {  	[timem:s7], [sflag:s22] =	dma.local [hbm:s5], s20  }
0x9e: {  	_ =	swait.ge [sflag:s22], s20  }
0x9f: {  	s4 =	ssub.s32 $0x0, s20;
	[sflag:s22] =	ssyncset.done $0x0  }
0xa0: {  	[sflag:s22] =	ssyncadd.s32 s4;
	_ =	sdelay $0x1  }
0xa1: {  	s23 =	simm.s32 $0x1B8B  }
0xa2: {  	_ =	swait.ge [sflag:s23], $0x1  }
0xa3: {  	[sflag:s23] =	ssyncset.done $0x0  }
0xa4: {  	s25 =	simm.s32 $0x1B8E;
	s24 =	sld [smem:$0x3FFE];
	[sflag:s23] =	ssyncadd.s32 $0xFFFFFFFF  }
0xa5: {  	s26 =	simm.s32 $execute0_lowered;
	[smem:$0x3FD2] =	sst s25  }
0xa6: {  	s5 =	sshll.u32 s26, $0x1;
	_ =	strace $0x8000004C;
	[dreg:$0x1] =	wrdreg $0xFFFFFFFF  }
0xa7: {  	s28 =	simm.s32 $_size_execute0_lowered;
	s3 =	sadd.s32 s3, s5;
	[dreg:$0x0] =	wrdreg $0x0  }
0xa8: {  	s5 =	sshll.u32 s28, $0x1;
	[dreg:$0x2] =	wrdreg s3  }
0xa9: {  	[dreg:$0x3] =	wrdreg s5  }
0xaa: {  	[dreg:$0x4] =	wrdreg $0xC0  }
0xab: {  	_ =	task [dreg:s7], $0x5FFFF  }
0xac: {  	[dreg:$0x1] =	wrdreg $0xFFFFFFFF  }
0xad: {  	[dreg:$0x0] =	wrdreg $0x60  }
0xae: {  	[dreg:$0x2] =	wrdreg s24  }
0xaf: {  	[dreg:$0x3] =	wrdreg s2  }
0xb0: {  	[dreg:$0x4] =	wrdreg $0x90000  }
0xb1: {  	[dreg:$0x5] =	wrdreg $0x9  }
0xb2: {  	_ =	task.clear_ibuf [dreg:s7], $0x6FFFF;
	_ =	strace $0x9000004C  }
0xb3: {  	s29 =	simm.s32 $0x9;
	_ =	strace $0x8000004E  }
0xb4: {  	_ =	swait.ge [sflag:s29], $0x1  }
0xb5: {  	[sflag:s29] =	ssyncadd.s32 $0xFFFFFFFF  }
0xb6: {  	_ =	strace $0x9000004E  }
0xb7: {  	_ =	sfence  }
0xb8: {  	s30 =	sld [smem:$0x0];
	_ =	sdelay $0x2  }
0xb9: {  	s31 =	sshll.u32 s1, $0xD;
	s1 =	sshrl.u32 s1, $0x2  }
0xba: {  	s3 =	sand.u32 $0x4000, s31;
	s1 =	sadd.s32 s1, s30  }
0xbb: {  	s0 =	sor.u32 s3, s0;
	s1 =	sshll.u32 s1, $0x11  }
0xbc: {  	s0 =	sor.u32 s1, s0  }
0xbd: {  	s0 =	sadd.s32 $0x8F2B, s0  }
0xbe: {  	[sflag:s0] =	ssyncadd.remote.s32 $0x1  }
0xbf: {  	_ =	sfence.sel $0xFFFF  }
0xc0: {  	[dreg:$0x0] =	wrdreg $0xFFFFFFFF;
	(pc) =	sbr.abs _section_cstart, $3  }
0xc1: {  	[dreg:$0x1] =	wrdreg $0xFFFFFFFF  }
0xc2: {  	_ =	task.clear_ibuf [dreg:s7], $0x2FFFF;
	_ =	strace $0x9FFFFFFF  }
0xc3: {  	(tm) =	ssettm $0x7FFFFFFF  }
tec
execute0_lowered:
.L_overlay_start_1:
0x0: {  	(tag) =	ssettag $0x1  }
0x1: {  	s6 =	rddreg [dreg:$0x0]  }
0x2: {  	s9 =	rddreg [dreg:$0x1]  }
0x3: {  	s2 =	rddreg [dreg:$0x2]  }
0x4: {  	s0 =	rddreg [dreg:$0x3]  }
0x5: {  	s3 =	simm.s32 $0x0;
	s1 =	stileid.u32;
	s7 =	srdreg.scid  }
0x6: {  	s16 =	simm.s32 $0x1;
	s18 =	simm.s32 $0x0;
	s5 =	smul.u32 $0x500, s1  }
0x7: {  	[smem:$0x7FF] =	sst s3;
	s4 =	sadd.s32 $0xB400, s6;
	s12 =	smul.u32 $0x50000, s1  }
0x8: {  	s10 =	sadd.s32 $0x8AE00, s6;
	s8 =	sand.u32 $0x1, s7;
	s14 =	smul.u32 $0x4F000, s1  }
0x9: {  	s13 =	sadd.s32 $0xB2000, s6;
	s30 =	smul.u32 $0x2780, s1;
	s31 =	sshll.u32 s1, $0x6  }
0xa: {  	_ =	strace $0x8000004D;
	s11 =	ssub.s32 $0x2, s8;
	p0 =	seq.s32 s8, $0x1  }
0xb: {  	s26 =	sadd.s32 s5, s6;
	s5 =	sadd.s32 $0x8C00, s6;
	s28 =	sshrl.u32 s11, $0x1  }
0xc: {  	s12 =	sshrl.u32 s12, $0x2;
	s29 =	sshrl.u32 s14, $0x2;
	s9 =	smov.u32 @p0 s13  }
0xd: {  	s4 =	smov.u32 @p0 s10;
	s10 =	simm.s32 $0x2;
	s14 =	simm.s32 $0x80  }
0xe: {  	s11 =	ssub.s32 s11, s28;
	s6 =	sadd.s32 $0x32C00, s26;
	s7 =	sadd.s32 $0x37C00, s26  }
0xf: {  	s15 =	sadd.s32 s12, s2;
	s17 =	sadd.s32 s29, s2;
	s9 =	sadd.s32 s9, s30  }
0x10: {  	s12 =	sor.u32 $0x1C02, s31;
	s8 =	smax.u32 s11, $0x1;
	s11 =	simm.s32 $0x2800  }
0x11: {  	s13 =	sshrl.u32 s15, $0x3;
	s15 =	simm.s32 $0x5000;
	s17 =	sshrl.u32 s17, $0x3  }
.LBB2_1:
0x12: {  	[tilespmem:s3], [sflag:$0x2] =	stream.linear.gather [hbm4b:s6+s3], $0x2780, $0x38;
	[tilespmem:$0x1D000] =	vst v63  }
0x13: {  	_ =	swait.ge [sflag:s10], $0x2780  }
0x14: {  	[sflag:s10] =	ssyncset.done $0x0  }
0x15: {  	[sflag:s10] =	ssyncadd.s32 $0xFFFFD880  }
0x16: {  	[tilespmem:s11], [sflag:$0x2] =	stream.linear.gather [hbm4b:s7+s3], $0x2780, $0x38;
	[tilespmem:$0x1D000] =	vst v63  }
0x17: {  	_ =	swait.ge [sflag:s10], $0x2780  }
0x18: {  	[sflag:s10] =	ssyncset.done $0x0  }
0x19: {  	[sflag:s10] =	ssyncadd.s32 $0xFFFFD880  }
0x1a: {  	[spmem:s13], [sflag:s12] =	dma.local [hbm:s5], $0x2800  }
0x1b: {  	_ =	swait.ge [sflag:s10], $0x2800  }
0x1c: {  	[sflag:s10] =	ssyncset.done $0x0  }
0x1d: {  	[sflag:s10] =	ssyncadd.s32 $0xFFFFD800  }
0x1e: {  	s19 =	simm.s32 $0x0;
	[bflag:$0x0] =	sbarrier.arrive $0xFFFF  }
0x1f: {  	[tilespmem:s15], [sflag:$0x1] =	stream.indirect.gather [hbm4b:s4+s14], $0x80, s19, s14, $0xb8;
	[tilespmem:$0x1D000] =	vst v63  }
0x20: {  	_ =	swait.ge [sflag:s16], $0x4000  }
0x21: {  	[sflag:s16] =	ssyncset.done $0x0  }
0x22: {  	s31 =	simm.s32 $0x2800;
	[sflag:s16] =	ssyncadd.s32 $0xFFFFC000  }
0x23: {  	[spmem:s2] =	stream.indirect.scatter.add.f32 [tilespmem:s15], [sflag:$0x2], $0x80, s31, s14, $0xb8;
	[tilespmem:$0x1D000] =	vst v63  }
0x24: {  	_ =	swait.ge [sflag:s10], $0x4000  }
0x25: {  	s20 =	simm.s32 $0x400;
	s19 =	simm.s32 $0x200;
	[sflag:s10] =	ssyncset.done $0x0  }
.LBB2_2:
0x26: {  	s21 =	sshra.s32 s19, $0x2  }
0x27: {  	[sflag:s10] =	ssyncadd.s32 $0xFFFFC000;
	s19 =	smov.u32 s20;
	s22 =	sadd.s32 $0x200, s20  }
0x28: {  	[tilespmem:s15], [sflag:$0x1] =	stream.indirect.gather [hbm4b:s4+s14], $0x80, s21, s14, $0xb8;
	[tilespmem:$0x1D000] =	vst v63  }
0x29: {  	p0 =	sne.s32 s20, $0x9C00;
	_ =	swait.ge [sflag:s16], $0x4000  }
.Ltmp0:
0x2a: {  	[sflag:s16] =	ssyncset.done $0x0;
	(pc) =	sbr.rel @p0 .LBB2_2-.Ltmp0, $4  }
0x2b: {  	s20 =	sadd.s32 $0x2800, s21;
	[sflag:s16] =	ssyncadd.s32 $0xFFFFC000  }
0x2c: {  	[spmem:s2] =	stream.indirect.scatter.add.f32 [tilespmem:s15], [sflag:$0x2], $0x80, s20, s14, $0xb8;
	[tilespmem:$0x1D000] =	vst v63  }
0x2d: {  	_ =	swait.ge [sflag:s10], $0x4000  }
0x2e: {  	s20 =	smov.u32 s22;
	[sflag:s10] =	ssyncset.done $0x0  }
0x2f: {  	s19 =	sshra.s32 s19, $0x2;
	[sflag:s10] =	ssyncadd.s32 $0xFFFFC000  }
0x30: {  	[tilespmem:s15], [sflag:$0x1] =	stream.indirect.gather [hbm4b:s4+s14], $0x80, s19, s14, $0xb8;
	[tilespmem:$0x1D000] =	vst v63  }
0x31: {  	_ =	swait.ge [sflag:s16], $0x4000  }
0x32: {  	[sflag:s16] =	ssyncset.done $0x0  }
0x33: {  	s19 =	sadd.s32 $0x2800, s19;
	[sflag:s16] =	ssyncadd.s32 $0xFFFFC000  }
0x34: {  	[spmem:s2] =	stream.indirect.scatter.add.f32 [tilespmem:s15], [sflag:$0x2], $0x80, s19, s14, $0xb8;
	[tilespmem:$0x1D000] =	vst v63  }
0x35: {  	_ =	swait.ge [sflag:s10], $0x4000  }
0x36: {  	s18 =	sadd.s32 $0x1, s18;
	[sflag:s10] =	ssyncset.done $0x0  }
0x37: {  	p0 =	sne.s32 s18, s8;
	[sflag:s10] =	ssyncadd.s32 $0xFFFFC000  }
.Ltmp1:
0x38: {  	[bflag:$0x0] =	sbarrier.arrive $0xFFFF;
	(pc) =	sbr.rel @p0 .LBB2_1-.Ltmp1, $4  }
0x39: {  	[hbm:s9], [sflag:s12] =	dma.local [spmem:s17], $0x2780  }
0x3a: {  	_ =	swait.ge [sflag:s10], $0x2780  }
0x3b: {  	[sflag:s10] =	ssyncset.done $0x0  }
0x3c: {  	[sflag:s10] =	ssyncadd.s32 $0xFFFFD880  }
0x3d: {  	_ =	sfence.sel $0x180000  }
0x3e: {  	[bflag:$0x0] =	sbarrier.arrive $0xFFFF  }
0x3f: {  	p0 =	sne.s32 s1, $0x0;
	_ =	strace $0x9000004D  }
0x40: {  	s0 =	sadd.s32 @!p0 $0x100000, s0;
	[bflag:$0x2] =	sbarrier.arrive $0xFFFF  }
0x41: {  	[sflag:s0] =	ssyncadd.tile.s32 @!p0 $0x1;
	_ =	shalt  }
.Lfunc_end2:
_tile_overlayer_lowered:
.L_overlay_start_2:
0x42: {  	(tag) =	ssettag $0x2  }
0x43: {  	s0 =	rddreg [dreg:$0x0];
	s2 =	stileid.u32  }
0x44: {  	s1 =	rddreg [dreg:$0x1];
	p0 =	sne.s32 s2, $0x0  }
0x45: {  	s3 =	rddreg [dreg:$0x2];
	[bflag:$0x3] =	sbarrier.arrive $0xFFFF;
	s2 =	simm.s32 @!p0 $0x1C02  }
0x46: {  	[timem:s3], [sflag:s2] =	dma.local @!p0 [hbm:s0], s1  }
0x47: {  	s0 =	simm.s32 @!p0 $0x2  }
0x48: {  	_ =	swait.ge @!p0 [sflag:s0], s1  }
0x49: {  	s1 =	ssub.s32 @!p0 $0x0, s1;
	[sflag:s0] =	ssyncset.done @!p0 $0x0  }
0x4a: {  	[sflag:s0] =	ssyncadd.s32 @!p0 s1  }
0x4b: {  	[bflag:$0x3] =	sbarrier.arrive $0xFFFF  }
0x4c: {  	_ =	shalt  }

// kernel: kernel.8.cloned.1.call-start
scs
__scs_entry_jumppad:
0x0: {  	(pc) =	sbr.rel $0x88, $3  }
0x1: {  	(tag) =	ssettag $0x0;
	lr =	simm.s32 $0x1  }
0x2: {  	[smem:$0x3F97] =	sst lr;
	_ =	strace $0xD0000000  }
0x3: {  	_ = 	snop  }
0x4: {  	_ = 	snop  }
0x5: {  	_ = 	snop  }
0x6: {  	_ = 	snop  }
0x7: {  	_ = 	snop  }
__scs_overlays_trampoline_lowered:
0x8: {  	[smem:$0x3FA6] =	sst s0  }
0x9: {  	[smem:$0x3FA7] =	sst s1  }
0xa: {  	[smem:$0x3FA8] =	sst s2  }
0xb: {  	[smem:$0x3FA9] =	sst s3  }
0xc: {  	[smem:$0x3FAA] =	sst s4  }
0xd: {  	[smem:$0x3FAB] =	sst s5  }
0xe: {  	[smem:$0x3FAC] =	sst s6  }
0xf: {  	[smem:$0x3FAD] =	sst s7  }
0x10: {  	[smem:$0x3FAE] =	sst s8  }
0x11: {  	[smem:$0x3FAF] =	sst s9;
	s0 =	simm.s32 @!p0 $0x0  }
0x12: {  	s1 =	sld [smem:$0x3F95];
	s0 =	simm.s32 @p0 $0x1  }
0x13: {  	[smem:$0x3FB0] =	sst s0;
	s0 =	simm.s32 @!p1 $0x0  }
0x14: {  	s2 =	sld [smem:$0x3F94];
	s0 =	simm.s32 @p1 $0x1  }
0x15: {  	[smem:$0x3FB1] =	sst s0;
	s0 =	simm.s32 @!p2 $0x0  }
0x16: {  	s3 =	sld [smem:$0x3FDB];
	s0 =	simm.s32 @p2 $0x1  }
0x17: {  	s4 =	simm.s32 $0x1BF5;
	[smem:$0x3FB3] =	sst s0  }
0x18: {  	s0 =	sld [smem:$0x3F96];
	_ =	swait.ge [sflag:s4], $0x0  }
0x19: {  	s7 =	sld [smem:$0x3F97]  }
0x1a: {  	s8 =	sadd.s32 $0xFFFFE003, lr  }
0x1b: {  	s9 =	sadd.s32 $0xFFFFFEF7, lr;
	s5 =	simm.s32 $0xFFFFFFFF;
	p2 =	slt.u32 s8, $0xFFFFF086  }
0x1c: {  	p1 =	slt.u32 s9, $0xF7A;
	s5 =	simm.s32 @!p2 $0x0  }
0x1d: {  	s5 =	simm.s32 @p1 $0x1;
	p0 =	seq.s32 s7, s2  }
0x1e: {  	s7 =	smul.u32 @!p0 $0xF7A, s2;
	p2 =	seq.s32 @!p0 s5, $0x0  }
0x1f: {  	s9 =	smul.u32 $0xF7A, s1;
	s8 =	simm.s32 @!p0 $0x1BF5;
	p2 =	por !p2, p0  }
0x20: {  	[sflag:s8] =	ssyncset.s32 @!p0 $0xFFFFF086;
	s6 =	sadd.s32 @!p0 s3, s7;
	s7 =	simm.s32 @!p0 $0x108  }
0x21: {  	s3 =	sadd.s32 s3, s9;
	s6 =	sadd.s32 @!p0 $0x88, s6;
	s7 =	simm.s32 @p2 $0x1082  }
0x22: {  	[simem:s7], [sflag:s8] =	dma.local @!p0 [hbm:s6], $0xF7A  }
0x23: {  	s9 =	sor.u32 $0xD0000000, s2;
	s6 =	simm.s32 $0x108;
	_ =	swait.ge @!p0 [sflag:s8], $0x0  }
0x24: {  	s3 =	sadd.s32 $0x88, s3;
	s6 =	simm.s32 @!p1 $0x1082;
	[sflag:s4] =	ssyncset.s32 $0xFFFFF086  }
0x25: {  	[simem:s6], [sflag:s4] =	dma.local [hbm:s3], $0xF7A  }
0x26: {  	[smem:$0x3F97] =	sst s1;
	(tag) =	ssettag s2;
	_ =	strace s9  }
0x27: {  	s1 =	sld [smem:$0x3FA7]  }
0x28: {  	s2 =	sld [smem:$0x3FA8]  }
0x29: {  	s4 =	sld [smem:$0x3FAA]  }
0x2a: {  	p0 =	seq.s32 s5, $0x0;
	s5 =	sld [smem:$0x3FAB]  }
0x2b: {  	s6 =	sld [smem:$0x3FAC]  }
0x2c: {  	s7 =	sld [smem:$0x3FAD]  }
0x2d: {  	s3 =	simm.s32 $0x108;
	s8 =	sld [smem:$0x3FAE]  }
0x2e: {  	s3 =	simm.s32 @!p0 $0x1082;
	s9 =	sld [smem:$0x3FAF]  }
0x2f: {  	lr =	sadd.s32 s0, s3;
	s0 =	sld [smem:$0x3FA6]  }
0x30: {  	s3 =	sld [smem:$0x3FA9]  }
0x31: {  	[smem:$0x3FB2] =	sst s10  }
0x32: {  	s10 =	sld [smem:$0x3FB0];
	_ =	sdelay $0x3  }
0x33: {  	p0 =	seq.s32 s10, $0x1;
	s10 =	sld [smem:$0x3FB2];
	_ =	sdelay $0x3  }
0x34: {  	[smem:$0x3FB2] =	sst s10  }
0x35: {  	s10 =	sld [smem:$0x3FB1];
	_ =	sdelay $0x3  }
0x36: {  	p1 =	seq.s32 s10, $0x1;
	s10 =	sld [smem:$0x3FB2];
	_ =	sdelay $0x3  }
0x37: {  	[smem:$0x3FB2] =	sst s10  }
0x38: {  	s10 =	sld [smem:$0x3FB3]  }
0x39: {  	_ = 	snop;
	(pc) =	sbr.ind lr, $3  }
0x3a: {  	_ = 	snop  }
0x3b: {  	_ = 	snop  }
0x3c: {  	p2 =	seq.s32 s10, $0x1;
	s10 =	sld [smem:$0x3FB2]  }
0x3d: {  	_ =	shalt  }
0x3e: {  	_ =	shalt  }
0x3f: {  	_ =	shalt  }
0x40: {  	_ =	shalt  }
0x41: {  	_ =	shalt  }
0x42: {  	_ =	shalt  }
0x43: {  	_ =	shalt  }
0x44: {  	_ =	shalt  }
0x45: {  	_ =	shalt  }
0x46: {  	_ =	shalt  }
0x47: {  	_ =	shalt  }
0x48: {  	_ =	shalt  }
0x49: {  	_ =	shalt  }
0x4a: {  	_ =	shalt  }
0x4b: {  	_ =	shalt  }
0x4c: {  	_ =	shalt  }
0x4d: {  	_ =	shalt  }
0x4e: {  	_ =	shalt  }
0x4f: {  	_ =	shalt  }
0x50: {  	_ =	shalt  }
0x51: {  	_ =	shalt  }
0x52: {  	_ =	shalt  }
0x53: {  	_ =	shalt  }
0x54: {  	_ =	shalt  }
0x55: {  	_ =	shalt  }
0x56: {  	_ =	shalt  }
0x57: {  	_ =	shalt  }
0x58: {  	_ =	shalt  }
0x59: {  	_ =	shalt  }
0x5a: {  	_ =	shalt  }
0x5b: {  	_ =	shalt  }
0x5c: {  	_ =	shalt  }
0x5d: {  	_ =	shalt  }
0x5e: {  	_ =	shalt  }
0x5f: {  	_ =	shalt  }
0x60: {  	_ =	shalt  }
0x61: {  	_ =	shalt  }
0x62: {  	_ =	shalt  }
0x63: {  	_ =	shalt  }
0x64: {  	_ =	shalt  }
0x65: {  	_ =	shalt  }
0x66: {  	_ =	shalt  }
0x67: {  	_ =	shalt  }
0x68: {  	_ =	shalt  }
0x69: {  	_ =	shalt  }
0x6a: {  	_ =	shalt  }
0x6b: {  	_ =	shalt  }
0x6c: {  	_ =	shalt  }
0x6d: {  	_ =	shalt  }
0x6e: {  	_ =	shalt  }
0x6f: {  	_ =	shalt  }
0x70: {  	_ =	shalt  }
0x71: {  	_ =	shalt  }
0x72: {  	_ =	shalt  }
0x73: {  	_ =	shalt  }
0x74: {  	_ =	shalt  }
0x75: {  	_ =	shalt  }
0x76: {  	_ =	shalt  }
0x77: {  	_ =	shalt  }
0x78: {  	_ =	shalt  }
0x79: {  	_ =	shalt  }
0x7a: {  	_ =	shalt  }
0x7b: {  	_ =	shalt  }
0x7c: {  	_ =	shalt  }
0x7d: {  	_ =	shalt  }
0x7e: {  	_ =	shalt  }
0x7f: {  	_ =	shalt  }
0x80: {  	_ =	shalt  }
0x81: {  	_ =	shalt  }
0x82: {  	_ =	shalt  }
0x83: {  	_ =	shalt  }
0x84: {  	_ =	shalt  }
0x85: {  	_ =	shalt  }
0x86: {  	_ =	shalt  }
0x87: {  	_ =	shalt  }
.Lfunc_end0:
.L_simem_size_0:
called_computation_lowered:
.L_overlay_start_0:
0x88: {  	s2 =	sld [smem:$0x3FD9]  }
0x89: {  	s3 =	sld [smem:$0x3FFE];
	_ =	sdelay $0x1  }
0x8a: {  	s1 =	srdreg.scid  }
0x8b: {  	s0 =	sand.u32 $0x1, s1  }
0x8c: {  	s17 =	sshll.u32 s0, $0xA;
	s2 =	sadd.s32 s3, s2  }
0x8d: {  	s2 =	sadd.s32 s2, s17  }
0x8e: {  	[smem:$0x3FBE] =	sst s2  }
0x8f: {  	_ = 	snop  }
0x90: {  	s2 =	sld [smem:$0x3FD0];
	(tm) =	ssettm $0x1  }
0x91: {  	s18 =	sld [smem:$0x3FFB];
	_ =	sdelay $0x3  }
0x92: {  	_ =	strace s18  }
0x93: {  	s3 =	sld [smem:$0x3FFC];
	_ =	sdelay $0x3  }
0x94: {  	_ =	strace s3  }
0x95: {  	s3 =	sld [smem:$0x3FFD];
	_ =	sdelay $0x3  }
0x96: {  	_ =	strace s3  }
0x97: {  	_ =	strace $0x8FFFFFFF  }
0x98: {  	s19 =	sld [smem:$0x3FDB];
	_ =	sdelay $0x1  }
0x99: {  	s4 =	simm.s32 $_scs_section_size  }
0x9a: {  	s5 =	simm.s32 $_size__tile_overlayer_lowered;
	s6 =	simm.s32 $_tile_overlayer_lowered  }
0x9b: {  	s22 =	simm.s32 $0x1BFF;
	s21 =	sshll.u32 s6, $0x1;
	s3 =	sadd.s32 s4, s19  }
0x9c: {  	s7 =	simm.s32 $0x0;
	s20 =	sshll.u32 s5, $0x1;
	s5 =	sadd.s32 s21, s3  }
0x9d: {  	[timem:s7], [sflag:s22] =	dma.local [hbm:s5], s20  }
0x9e: {  	_ =	swait.ge [sflag:s22], s20  }
0x9f: {  	s4 =	ssub.s32 $0x0, s20;
	[sflag:s22] =	ssyncset.done $0x0  }
0xa0: {  	[sflag:s22] =	ssyncadd.s32 s4;
	_ =	sdelay $0x1  }
0xa1: {  	s23 =	simm.s32 $0x1B8B  }
0xa2: {  	_ =	swait.ge [sflag:s23], $0x1  }
0xa3: {  	[sflag:s23] =	ssyncset.done $0x0  }
0xa4: {  	s25 =	simm.s32 $0x1B8E;
	s24 =	sld [smem:$0x3FFE];
	[sflag:s23] =	ssyncadd.s32 $0xFFFFFFFF  }
0xa5: {  	s26 =	simm.s32 $execute0_lowered;
	[smem:$0x3FD2] =	sst s25  }
0xa6: {  	s5 =	sshll.u32 s26, $0x1;
	_ =	strace $0x80000046;
	[dreg:$0x1] =	wrdreg $0xFFFFFFFF  }
0xa7: {  	s28 =	simm.s32 $_size_execute0_lowered;
	s3 =	sadd.s32 s3, s5;
	[dreg:$0x0] =	wrdreg $0x0  }
0xa8: {  	s5 =	sshll.u32 s28, $0x1;
	[dreg:$0x2] =	wrdreg s3  }
0xa9: {  	[dreg:$0x3] =	wrdreg s5  }
0xaa: {  	[dreg:$0x4] =	wrdreg $0xC0  }
0xab: {  	_ =	task [dreg:s7], $0x5FFFF  }
0xac: {  	[dreg:$0x1] =	wrdreg $0xFFFFFFFF  }
0xad: {  	[dreg:$0x0] =	wrdreg $0x60  }
0xae: {  	[dreg:$0x2] =	wrdreg s24  }
0xaf: {  	[dreg:$0x3] =	wrdreg s2  }
0xb0: {  	[dreg:$0x4] =	wrdreg $0x54000  }
0xb1: {  	[dreg:$0x5] =	wrdreg $0x9  }
0xb2: {  	_ =	task.clear_ibuf [dreg:s7], $0x6FFFF;
	_ =	strace $0x90000046  }
0xb3: {  	s29 =	simm.s32 $0x9;
	_ =	strace $0x80000048  }
0xb4: {  	_ =	swait.ge [sflag:s29], $0x1  }
0xb5: {  	[sflag:s29] =	ssyncadd.s32 $0xFFFFFFFF  }
0xb6: {  	_ =	strace $0x90000048  }
0xb7: {  	_ =	sfence  }
0xb8: {  	s30 =	sld [smem:$0x0];
	_ =	sdelay $0x2  }
0xb9: {  	s31 =	sshll.u32 s1, $0xD;
	s1 =	sshrl.u32 s1, $0x2  }
0xba: {  	s3 =	sand.u32 $0x4000, s31;
	s1 =	sadd.s32 s1, s30  }
0xbb: {  	s0 =	sor.u32 s3, s0;
	s1 =	sshll.u32 s1, $0x11  }
0xbc: {  	s0 =	sor.u32 s1, s0  }
0xbd: {  	s0 =	sadd.s32 $0x8F2B, s0  }
0xbe: {  	[sflag:s0] =	ssyncadd.remote.s32 $0x1  }
0xbf: {  	_ =	sfence.sel $0xFFFF  }
0xc0: {  	[dreg:$0x0] =	wrdreg $0xFFFFFFFF;
	(pc) =	sbr.abs _section_cstart, $3  }
0xc1: {  	[dreg:$0x1] =	wrdreg $0xFFFFFFFF  }
0xc2: {  	_ =	task.clear_ibuf [dreg:s7], $0x2FFFF;
	_ =	strace $0x9FFFFFFF  }
0xc3: {  	(tm) =	ssettm $0x7FFFFFFF  }
tec
execute0_lowered:
.L_overlay_start_1:
0x0: {  	(tag) =	ssettag $0x1  }
0x1: {  	s4 =	rddreg [dreg:$0x0]  }
0x2: {  	s5 =	rddreg [dreg:$0x1]  }
0x3: {  	s2 =	rddreg [dreg:$0x2];
	s3 =	simm.s32 $0x0  }
0x4: {  	[smem:$0x7FF] =	sst s3;
	s7 =	sadd.s32 $0x8C00, s4  }
0x5: {  	s25 =	sadd.s32 $0x8400, s4;
	_ =	strace $0x80000047;
	[dreg:$0x4] =	wrdreg s7  }
0x6: {  	s9 =	simm.s32 $0x100;
	[dreg:$0x5] =	wrdreg s25  }
0x7: {  	s10 =	simm.s32 $0x180;
	[dreg:$0x9] =	wrdreg s9  }
0x8: {  	s11 =	simm.s32 $0x200;
	[dreg:$0xa] =	wrdreg s10  }
0x9: {  	s12 =	simm.s32 $0x280;
	[dreg:$0xb] =	wrdreg s11  }
0xa: {  	s13 =	simm.s32 $0x300;
	[dreg:$0xc] =	wrdreg s12  }
0xb: {  	s14 =	simm.s32 $0x380;
	[dreg:$0xd] =	wrdreg s13  }
0xc: {  	s15 =	simm.s32 $0x400;
	[dreg:$0xe] =	wrdreg s14  }
0xd: {  	s16 =	simm.s32 $0x480;
	[dreg:$0xf] =	wrdreg s15  }
0xe: {  	s0 =	srdreg.scid;
	s17 =	simm.s32 $0x500;
	[dreg:$0x10] =	wrdreg s16  }
0xf: {  	s1 =	stileid.u32;
	s18 =	simm.s32 $0x580;
	[dreg:$0x11] =	wrdreg s17  }
0x10: {  	s19 =	simm.s32 $0x600;
	s20 =	simm.s32 $0x680;
	[dreg:$0x12] =	wrdreg s18  }
0x11: {  	s21 =	simm.s32 $0x700;
	s22 =	simm.s32 $0x780;
	[dreg:$0x13] =	wrdreg s19  }
0x12: {  	s23 =	simm.s32 $0x800;
	s0 =	sand.u32 $0x1, s0;
	[dreg:$0x14] =	wrdreg s20  }
0x13: {  	s26 =	smul.u32 $0x50000, s1;
	s6 =	sshll.u32 s0, $0x4;
	[dreg:$0x15] =	wrdreg s21  }
0x14: {  	s8 =	smul.u32 $0x2780, s1;
	[dreg:$0x16] =	wrdreg s22;
	s6 =	sor.u32 s1, s6  }
0x15: {  	s24 =	simm.s32 $0x880;
	[dreg:$0x17] =	wrdreg s23;
	s6 =	smul.u32 $0x280, s6  }
0x16: {  	p0 =	seq.s32 s0, $0x1;
	[dreg:$0x18] =	wrdreg s24;
	s7 =	sshrl.u32 s26, $0x2  }
0x17: {  	s26 =	simm.s32 $0x900;
	s7 =	sadd.s32 s7, s2;
	s6 =	sadd.s32 s6, s4  }
0x18: {  	[dreg:$0x19] =	wrdreg s26;
	s4 =	sadd.s32 $0xB400, s4;
	s6 =	sadd.s32 $0x3400, s6  }
0x19: {  	s5 =	smov.u32 @p0 s4;
	s4 =	sshrl.u32 s7, $0x3;
	[dreg:$0x6] =	wrdreg s6  }
0x1a: {  	s5 =	sadd.s32 s5, s8;
	[dreg:$0x8] =	wrdreg s4  }
0x1b: {  	[dreg:$0x7] =	wrdreg s5  }
0x1c: {  	s4 =	simm.s32 $0x2;
	s25 =	rddreg [dreg:$0x6]  }
0x1d: {  	[tilespmem:s3], [sflag:$0x2] =	stream.linear.gather [hbm4b:s25+s3], $0x1400, $0x38;
	[tilespmem:$0x19400] =	vst v63  }
0x1e: {  	_ =	swait.ge [sflag:s4], $0x1400  }
0x1f: {  	[sflag:s4] =	ssyncset.done $0x0  }
0x20: {  	s5 =	simm.s32 $0x1400;
	s7 =	rddreg [dreg:$0x5];
	[sflag:s4] =	ssyncadd.s32 $0xFFFFEC00  }
0x21: {  	[tilespmem:s5], [sflag:$0x2] =	stream.linear.gather [hbm4b:s7+s3], $0x4000, $0x38;
	[tilespmem:$0x19400] =	vst v63  }
0x22: {  	_ =	swait.ge [sflag:s4], $0x4000  }
0x23: {  	s10 =	sshll.u32 s1, $0x6;
	s8 =	rddreg [dreg:$0x4];
	[sflag:s4] =	ssyncset.done $0x0  }
0x24: {  	s6 =	sor.u32 $0x1C02, s10;
	s9 =	rddreg [dreg:$0x8];
	[sflag:s4] =	ssyncadd.s32 $0xFFFFC000  }
0x25: {  	[spmem:s9], [sflag:s6] =	dma.local [hbm:s8], $0x2800  }
0x26: {  	_ =	swait.ge [sflag:s4], $0x2800  }
0x27: {  	[sflag:s4] =	ssyncset.done $0x0  }
0x28: {  	[sflag:s4] =	ssyncadd.s32 $0xFFFFD800  }
0x29: {  	s7 =	simm.s32 $0x80;
	[bflag:$0x0] =	sbarrier.arrive $0xFFFF  }
0x2a: {  	[spmem:s2] =	stream.indirect.scatter.add.f32 [tilespmem:s5], [sflag:$0x1], $0x80, s3, s7, $0xb8;
	[tilespmem:$0x19400] =	vst v63  }
0x2b: {  	_ = 	snop  }
0x2c: {  	[spmem:s2] =	stream.indirect.scatter.add.f32 [tilespmem:s5], [sflag:$0x1], $0x80, s7, s7, $0xb8;
	[tilespmem:$0x19400] =	vst v63  }
0x2d: {  	s11 =	rddreg [dreg:$0x9]  }
0x2e: {  	[spmem:s2] =	stream.indirect.scatter.add.f32 [tilespmem:s5], [sflag:$0x1], $0x80, s11, s7, $0xb8;
	[tilespmem:$0x19400] =	vst v63  }
0x2f: {  	s9 =	rddreg [dreg:$0xa]  }
0x30: {  	[spmem:s2] =	stream.indirect.scatter.add.f32 [tilespmem:s5], [sflag:$0x1], $0x80, s9, s7, $0xb8;
	[tilespmem:$0x19400] =	vst v63  }
0x31: {  	s12 =	rddreg [dreg:$0xb]  }
0x32: {  	[spmem:s2] =	stream.indirect.scatter.add.f32 [tilespmem:s5], [sflag:$0x1], $0x80, s12, s7, $0xb8;
	[tilespmem:$0x19400] =	vst v63  }
0x33: {  	s13 =	rddreg [dreg:$0xc]  }
0x34: {  	[spmem:s2] =	stream.indirect.scatter.add.f32 [tilespmem:s5], [sflag:$0x1], $0x80, s13, s7, $0xb8;
	[tilespmem:$0x19400] =	vst v63  }
0x35: {  	s14 =	rddreg [dreg:$0xd]  }
0x36: {  	[spmem:s2] =	stream.indirect.scatter.add.f32 [tilespmem:s5], [sflag:$0x1], $0x80, s14, s7, $0xb8;
	[tilespmem:$0x19400] =	vst v63  }
0x37: {  	s8 =	simm.s32 $0x1;
	s15 =	rddreg [dreg:$0xe]  }
0x38: {  	[spmem:s2] =	stream.indirect.scatter.add.f32 [tilespmem:s5], [sflag:$0x1], $0x80, s15, s7, $0xb8;
	[tilespmem:$0x19400] =	vst v63  }
0x39: {  	_ =	swait.ge [sflag:s8], $0x4000  }
0x3a: {  	[sflag:s8] =	ssyncset.done $0x0  }
0x3b: {  	[sflag:s8] =	ssyncadd.s32 $0xFFFFC000  }
0x3c: {  	_ =	swait.ge [sflag:s8], $0x4000  }
0x3d: {  	[sflag:s8] =	ssyncset.done $0x0  }
0x3e: {  	[sflag:s8] =	ssyncadd.s32 $0xFFFFC000  }
0x3f: {  	_ =	swait.ge [sflag:s8], $0x4000  }
0x40: {  	[sflag:s8] =	ssyncset.done $0x0  }
0x41: {  	[sflag:s8] =	ssyncadd.s32 $0xFFFFC000  }
0x42: {  	_ =	swait.ge [sflag:s8], $0x4000  }
0x43: {  	[sflag:s8] =	ssyncset.done $0x0  }
0x44: {  	[sflag:s8] =	ssyncadd.s32 $0xFFFFC000  }
0x45: {  	_ =	swait.ge [sflag:s8], $0x4000  }
0x46: {  	[sflag:s8] =	ssyncset.done $0x0  }
0x47: {  	[sflag:s8] =	ssyncadd.s32 $0xFFFFC000  }
0x48: {  	_ =	swait.ge [sflag:s8], $0x4000  }
0x49: {  	[sflag:s8] =	ssyncset.done $0x0  }
0x4a: {  	[sflag:s8] =	ssyncadd.s32 $0xFFFFC000  }
0x4b: {  	_ =	swait.ge [sflag:s8], $0x4000  }
0x4c: {  	[sflag:s8] =	ssyncset.done $0x0  }
0x4d: {  	[sflag:s8] =	ssyncadd.s32 $0xFFFFC000  }
0x4e: {  	_ =	swait.ge [sflag:s8], $0x4000  }
0x4f: {  	[sflag:s8] =	ssyncset.done $0x0  }
0x50: {  	s16 =	rddreg [dreg:$0xf];
	[sflag:s8] =	ssyncadd.s32 $0xFFFFC000  }
0x51: {  	[spmem:s2] =	stream.indirect.scatter.add.f32 [tilespmem:s5], [sflag:$0x1], $0x80, s16, s7, $0xb8;
	[tilespmem:$0x19400] =	vst v63  }
0x52: {  	s10 =	rddreg [dreg:$0x10]  }
0x53: {  	[spmem:s2] =	stream.indirect.scatter.add.f32 [tilespmem:s5], [sflag:$0x1], $0x80, s10, s7, $0xb8;
	[tilespmem:$0x19400] =	vst v63  }
0x54: {  	s17 =	rddreg [dreg:$0x11]  }
0x55: {  	[spmem:s2] =	stream.indirect.scatter.add.f32 [tilespmem:s5], [sflag:$0x1], $0x80, s17, s7, $0xb8;
	[tilespmem:$0x19400] =	vst v63  }
0x56: {  	s18 =	rddreg [dreg:$0x12]  }
0x57: {  	[spmem:s2] =	stream.indirect.scatter.add.f32 [tilespmem:s5], [sflag:$0x1], $0x80, s18, s7, $0xb8;
	[tilespmem:$0x19400] =	vst v63  }
0x58: {  	s19 =	rddreg [dreg:$0x13]  }
0x59: {  	[spmem:s2] =	stream.indirect.scatter.add.f32 [tilespmem:s5], [sflag:$0x1], $0x80, s19, s7, $0xb8;
	[tilespmem:$0x19400] =	vst v63  }
0x5a: {  	s20 =	rddreg [dreg:$0x14]  }
0x5b: {  	[spmem:s2] =	stream.indirect.scatter.add.f32 [tilespmem:s5], [sflag:$0x1], $0x80, s20, s7, $0xb8;
	[tilespmem:$0x19400] =	vst v63  }
0x5c: {  	s21 =	rddreg [dreg:$0x15]  }
0x5d: {  	[spmem:s2] =	stream.indirect.scatter.add.f32 [tilespmem:s5], [sflag:$0x1], $0x80, s21, s7, $0xb8;
	[tilespmem:$0x19400] =	vst v63  }
0x5e: {  	s22 =	rddreg [dreg:$0x16]  }
0x5f: {  	[spmem:s2] =	stream.indirect.scatter.add.f32 [tilespmem:s5], [sflag:$0x1], $0x80, s22, s7, $0xb8;
	[tilespmem:$0x19400] =	vst v63  }
0x60: {  	_ =	swait.ge [sflag:s8], $0x4000  }
0x61: {  	[sflag:s8] =	ssyncset.done $0x0  }
0x62: {  	[sflag:s8] =	ssyncadd.s32 $0xFFFFC000  }
0x63: {  	_ =	swait.ge [sflag:s8], $0x4000  }
0x64: {  	[sflag:s8] =	ssyncset.done $0x0  }
0x65: {  	[sflag:s8] =	ssyncadd.s32 $0xFFFFC000  }
0x66: {  	_ =	swait.ge [sflag:s8], $0x4000  }
0x67: {  	[sflag:s8] =	ssyncset.done $0x0  }
0x68: {  	[sflag:s8] =	ssyncadd.s32 $0xFFFFC000  }
0x69: {  	_ =	swait.ge [sflag:s8], $0x4000  }
0x6a: {  	[sflag:s8] =	ssyncset.done $0x0  }
0x6b: {  	[sflag:s8] =	ssyncadd.s32 $0xFFFFC000  }
0x6c: {  	_ =	swait.ge [sflag:s8], $0x4000  }
0x6d: {  	[sflag:s8] =	ssyncset.done $0x0  }
0x6e: {  	[sflag:s8] =	ssyncadd.s32 $0xFFFFC000  }
0x6f: {  	_ =	swait.ge [sflag:s8], $0x4000  }
0x70: {  	[sflag:s8] =	ssyncset.done $0x0  }
0x71: {  	[sflag:s8] =	ssyncadd.s32 $0xFFFFC000  }
0x72: {  	_ =	swait.ge [sflag:s8], $0x4000  }
0x73: {  	[sflag:s8] =	ssyncset.done $0x0  }
0x74: {  	[sflag:s8] =	ssyncadd.s32 $0xFFFFC000  }
0x75: {  	_ =	swait.ge [sflag:s8], $0x4000  }
0x76: {  	[sflag:s8] =	ssyncset.done $0x0  }
0x77: {  	s23 =	rddreg [dreg:$0x17];
	[sflag:s8] =	ssyncadd.s32 $0xFFFFC000  }
0x78: {  	[spmem:s2] =	stream.indirect.scatter.add.f32 [tilespmem:s5], [sflag:$0x1], $0x80, s23, s7, $0xb8;
	[tilespmem:$0x19400] =	vst v63  }
0x79: {  	s24 =	rddreg [dreg:$0x18]  }
0x7a: {  	[spmem:s2] =	stream.indirect.scatter.add.f32 [tilespmem:s5], [sflag:$0x1], $0x80, s24, s7, $0xb8;
	[tilespmem:$0x19400] =	vst v63  }
0x7b: {  	s25 =	rddreg [dreg:$0x19]  }
0x7c: {  	[spmem:s2] =	stream.indirect.scatter.add.f32 [tilespmem:s5], [sflag:$0x1], $0x80, s25, s7, $0xb8;
	[tilespmem:$0x19400] =	vst v63  }
0x7d: {  	s26 =	simm.s32 $0x980  }
0x7e: {  	[spmem:s2] =	stream.indirect.scatter.add.f32 [tilespmem:s5], [sflag:$0x1], $0x80, s26, s7, $0xb8;
	[tilespmem:$0x19400] =	vst v63  }
0x7f: {  	s10 =	simm.s32 $0xA00  }
0x80: {  	[spmem:s2] =	stream.indirect.scatter.add.f32 [tilespmem:s5], [sflag:$0x1], $0x80, s10, s7, $0xb8;
	[tilespmem:$0x19400] =	vst v63  }
0x81: {  	s11 =	simm.s32 $0xA80  }
0x82: {  	[spmem:s2] =	stream.indirect.scatter.add.f32 [tilespmem:s5], [sflag:$0x1], $0x80, s11, s7, $0xb8;
	[tilespmem:$0x19400] =	vst v63  }
0x83: {  	s12 =	simm.s32 $0xB00  }
0x84: {  	[spmem:s2] =	stream.indirect.scatter.add.f32 [tilespmem:s5], [sflag:$0x1], $0x80, s12, s7, $0xb8;
	[tilespmem:$0x19400] =	vst v63  }
0x85: {  	s13 =	simm.s32 $0xB80  }
0x86: {  	[spmem:s2] =	stream.indirect.scatter.add.f32 [tilespmem:s5], [sflag:$0x1], $0x80, s13, s7, $0xb8;
	[tilespmem:$0x19400] =	vst v63  }
0x87: {  	_ =	swait.ge [sflag:s8], $0x4000  }
0x88: {  	[sflag:s8] =	ssyncset.done $0x0  }
0x89: {  	[sflag:s8] =	ssyncadd.s32 $0xFFFFC000  }
0x8a: {  	_ =	swait.ge [sflag:s8], $0x4000  }
0x8b: {  	[sflag:s8] =	ssyncset.done $0x0  }
0x8c: {  	[sflag:s8] =	ssyncadd.s32 $0xFFFFC000  }
0x8d: {  	_ =	swait.ge [sflag:s8], $0x4000  }
0x8e: {  	[sflag:s8] =	ssyncset.done $0x0  }
0x8f: {  	[sflag:s8] =	ssyncadd.s32 $0xFFFFC000  }
0x90: {  	_ =	swait.ge [sflag:s8], $0x4000  }
0x91: {  	[sflag:s8] =	ssyncset.done $0x0  }
0x92: {  	[sflag:s8] =	ssyncadd.s32 $0xFFFFC000  }
0x93: {  	_ =	swait.ge [sflag:s8], $0x4000  }
0x94: {  	[sflag:s8] =	ssyncset.done $0x0  }
0x95: {  	[sflag:s8] =	ssyncadd.s32 $0xFFFFC000  }
0x96: {  	_ =	swait.ge [sflag:s8], $0x4000  }
0x97: {  	[sflag:s8] =	ssyncset.done $0x0  }
0x98: {  	[sflag:s8] =	ssyncadd.s32 $0xFFFFC000  }
0x99: {  	_ =	swait.ge [sflag:s8], $0x4000  }
0x9a: {  	[sflag:s8] =	ssyncset.done $0x0  }
0x9b: {  	[sflag:s8] =	ssyncadd.s32 $0xFFFFC000  }
0x9c: {  	_ =	swait.ge [sflag:s8], $0x4000  }
0x9d: {  	[sflag:s8] =	ssyncset.done $0x0  }
0x9e: {  	s14 =	simm.s32 $0xC00;
	[sflag:s8] =	ssyncadd.s32 $0xFFFFC000  }
0x9f: {  	[spmem:s2] =	stream.indirect.scatter.add.f32 [tilespmem:s5], [sflag:$0x1], $0x80, s14, s7, $0xb8;
	[tilespmem:$0x19400] =	vst v63  }
0xa0: {  	s15 =	simm.s32 $0xC80  }
0xa1: {  	[spmem:s2] =	stream.indirect.scatter.add.f32 [tilespmem:s5], [sflag:$0x1], $0x80, s15, s7, $0xb8;
	[tilespmem:$0x19400] =	vst v63  }
0xa2: {  	s16 =	simm.s32 $0xD00  }
0xa3: {  	[spmem:s2] =	stream.indirect.scatter.add.f32 [tilespmem:s5], [sflag:$0x1], $0x80, s16, s7, $0xb8;
	[tilespmem:$0x19400] =	vst v63  }
0xa4: {  	s17 =	simm.s32 $0xD80  }
0xa5: {  	[spmem:s2] =	stream.indirect.scatter.add.f32 [tilespmem:s5], [sflag:$0x1], $0x80, s17, s7, $0xb8;
	[tilespmem:$0x19400] =	vst v63  }
0xa6: {  	s18 =	simm.s32 $0xE00  }
0xa7: {  	[spmem:s2] =	stream.indirect.scatter.add.f32 [tilespmem:s5], [sflag:$0x1], $0x80, s18, s7, $0xb8;
	[tilespmem:$0x19400] =	vst v63  }
0xa8: {  	s19 =	simm.s32 $0xE80  }
0xa9: {  	[spmem:s2] =	stream.indirect.scatter.add.f32 [tilespmem:s5], [sflag:$0x1], $0x80, s19, s7, $0xb8;
	[tilespmem:$0x19400] =	vst v63  }
0xaa: {  	s20 =	simm.s32 $0xF00  }
0xab: {  	[spmem:s2] =	stream.indirect.scatter.add.f32 [tilespmem:s5], [sflag:$0x1], $0x80, s20, s7, $0xb8;
	[tilespmem:$0x19400] =	vst v63  }
0xac: {  	s21 =	simm.s32 $0xF80  }
0xad: {  	[spmem:s2] =	stream.indirect.scatter.add.f32 [tilespmem:s5], [sflag:$0x1], $0x80, s21, s7, $0xb8;
	[tilespmem:$0x19400] =	vst v63  }
0xae: {  	_ =	swait.ge [sflag:s8], $0x4000  }
0xaf: {  	[sflag:s8] =	ssyncset.done $0x0  }
0xb0: {  	[sflag:s8] =	ssyncadd.s32 $0xFFFFC000  }
0xb1: {  	_ =	swait.ge [sflag:s8], $0x4000  }
0xb2: {  	[sflag:s8] =	ssyncset.done $0x0  }
0xb3: {  	[sflag:s8] =	ssyncadd.s32 $0xFFFFC000  }
0xb4: {  	_ =	swait.ge [sflag:s8], $0x4000  }
0xb5: {  	[sflag:s8] =	ssyncset.done $0x0  }
0xb6: {  	[sflag:s8] =	ssyncadd.s32 $0xFFFFC000  }
0xb7: {  	_ =	swait.ge [sflag:s8], $0x4000  }
0xb8: {  	[sflag:s8] =	ssyncset.done $0x0  }
0xb9: {  	[sflag:s8] =	ssyncadd.s32 $0xFFFFC000  }
0xba: {  	_ =	swait.ge [sflag:s8], $0x4000  }
0xbb: {  	[sflag:s8] =	ssyncset.done $0x0  }
0xbc: {  	[sflag:s8] =	ssyncadd.s32 $0xFFFFC000  }
0xbd: {  	_ =	swait.ge [sflag:s8], $0x4000  }
0xbe: {  	[sflag:s8] =	ssyncset.done $0x0  }
0xbf: {  	[sflag:s8] =	ssyncadd.s32 $0xFFFFC000  }
0xc0: {  	_ =	swait.ge [sflag:s8], $0x4000  }
0xc1: {  	[sflag:s8] =	ssyncset.done $0x0  }
0xc2: {  	[sflag:s8] =	ssyncadd.s32 $0xFFFFC000  }
0xc3: {  	_ =	swait.ge [sflag:s8], $0x4000  }
0xc4: {  	[sflag:s8] =	ssyncset.done $0x0  }
0xc5: {  	s22 =	simm.s32 $0x1000;
	[sflag:s8] =	ssyncadd.s32 $0xFFFFC000  }
0xc6: {  	[spmem:s2] =	stream.indirect.scatter.add.f32 [tilespmem:s5], [sflag:$0x1], $0x80, s22, s7, $0xb8;
	[tilespmem:$0x19400] =	vst v63  }
0xc7: {  	s23 =	simm.s32 $0x1080  }
0xc8: {  	[spmem:s2] =	stream.indirect.scatter.add.f32 [tilespmem:s5], [sflag:$0x1], $0x80, s23, s7, $0xb8;
	[tilespmem:$0x19400] =	vst v63  }
0xc9: {  	s24 =	simm.s32 $0x1100  }
0xca: {  	[spmem:s2] =	stream.indirect.scatter.add.f32 [tilespmem:s5], [sflag:$0x1], $0x80, s24, s7, $0xb8;
	[tilespmem:$0x19400] =	vst v63  }
0xcb: {  	s25 =	simm.s32 $0x1180  }
0xcc: {  	[spmem:s2] =	stream.indirect.scatter.add.f32 [tilespmem:s5], [sflag:$0x1], $0x80, s25, s7, $0xb8;
	[tilespmem:$0x19400] =	vst v63  }
0xcd: {  	s26 =	simm.s32 $0x1200  }
0xce: {  	[spmem:s2] =	stream.indirect.scatter.add.f32 [tilespmem:s5], [sflag:$0x1], $0x80, s26, s7, $0xb8;
	[tilespmem:$0x19400] =	vst v63  }
0xcf: {  	s28 =	simm.s32 $0x1280  }
0xd0: {  	[spmem:s2] =	stream.indirect.scatter.add.f32 [tilespmem:s5], [sflag:$0x1], $0x80, s28, s7, $0xb8;
	[tilespmem:$0x19400] =	vst v63  }
0xd1: {  	s29 =	simm.s32 $0x1300  }
0xd2: {  	[spmem:s2] =	stream.indirect.scatter.add.f32 [tilespmem:s5], [sflag:$0x1], $0x80, s29, s7, $0xb8;
	[tilespmem:$0x19400] =	vst v63  }
0xd3: {  	s30 =	simm.s32 $0x1380  }
0xd4: {  	[spmem:s2] =	stream.indirect.scatter.add.f32 [tilespmem:s5], [sflag:$0x1], $0x80, s30, s7, $0xb8;
	[tilespmem:$0x19400] =	vst v63  }
0xd5: {  	_ =	swait.ge [sflag:s8], $0x4000  }
0xd6: {  	[sflag:s8] =	ssyncset.done $0x0  }
0xd7: {  	[sflag:s8] =	ssyncadd.s32 $0xFFFFC000  }
0xd8: {  	_ =	swait.ge [sflag:s8], $0x4000  }
0xd9: {  	[sflag:s8] =	ssyncset.done $0x0  }
0xda: {  	[sflag:s8] =	ssyncadd.s32 $0xFFFFC000  }
0xdb: {  	_ =	swait.ge [sflag:s8], $0x4000  }
0xdc: {  	[sflag:s8] =	ssyncset.done $0x0  }
0xdd: {  	[sflag:s8] =	ssyncadd.s32 $0xFFFFC000  }
0xde: {  	_ =	swait.ge [sflag:s8], $0x4000  }
0xdf: {  	[sflag:s8] =	ssyncset.done $0x0  }
0xe0: {  	[sflag:s8] =	ssyncadd.s32 $0xFFFFC000  }
0xe1: {  	_ =	swait.ge [sflag:s8], $0x4000  }
0xe2: {  	[sflag:s8] =	ssyncset.done $0x0  }
0xe3: {  	[sflag:s8] =	ssyncadd.s32 $0xFFFFC000  }
0xe4: {  	_ =	swait.ge [sflag:s8], $0x4000  }
0xe5: {  	[sflag:s8] =	ssyncset.done $0x0  }
0xe6: {  	s0 =	ssub.s32 $0x2, s0;
	[sflag:s8] =	ssyncadd.s32 $0xFFFFC000  }
0xe7: {  	s31 =	smul.u32 $0x4F000, s1;
	s1 =	sshrl.u32 s0, $0x1;
	_ =	swait.ge [sflag:s8], $0x4000  }
0xe8: {  	s0 =	ssub.s32 s0, s1;
	[sflag:s8] =	ssyncset.done $0x0  }
0xe9: {  	s0 =	smax.u32 s0, $0x1;
	[sflag:s8] =	ssyncadd.s32 $0xFFFFC000  }
0xea: {  	p0 =	sne.s32 s0, $0x1;
	_ =	swait.ge [sflag:s8], $0x4000  }
.Ltmp0:
0xeb: {  	[sflag:s8] =	ssyncset.done $0x0;
	(pc) =	sbr.rel @!p0 .LBB2_2-.Ltmp0, $4  }
0xec: {  	s31 =	sshrl.u32 s31, $0x2;
	[sflag:s8] =	ssyncadd.s32 $0xFFFFC000  }
0xed: {  	s31 =	sadd.s32 s31, s2;
	[bflag:$0x0] =	sbarrier.arrive $0xFFFF  }
0xee: {  	s31 =	sshrl.u32 s31, $0x3;
	s0 =	sadd.s32 $0xFFFFFFFF, s0;
	s9 =	rddreg [dreg:$0x7]  }
0xef: {  	[hbm:s9], [sflag:s6] =	dma.local [spmem:s31], $0x2780  }
.LBB2_1:
0xf0: {  	_ =	swait.ge [sflag:s4], $0x2780  }
0xf1: {  	[sflag:s4] =	ssyncset.done $0x0  }
0xf2: {  	s1 =	rddreg [dreg:$0x6];
	[sflag:s4] =	ssyncadd.s32 $0xFFFFD880  }
0xf3: {  	[tilespmem:s3], [sflag:$0x2] =	stream.linear.gather [hbm4b:s1+s3], $0x1400, $0x38;
	[tilespmem:$0x19400] =	vst v63  }
0xf4: {  	_ =	swait.ge [sflag:s4], $0x1400  }
0xf5: {  	[sflag:s4] =	ssyncset.done $0x0  }
0xf6: {  	s9 =	rddreg [dreg:$0x5];
	[sflag:s4] =	ssyncadd.s32 $0xFFFFEC00  }
0xf7: {  	[tilespmem:s5], [sflag:$0x2] =	stream.linear.gather [hbm4b:s9+s3], $0x4000, $0x38;
	[tilespmem:$0x19400] =	vst v63  }
0xf8: {  	_ =	swait.ge [sflag:s4], $0x4000  }
0xf9: {  	[sflag:s4] =	ssyncset.done $0x0;
	s1 =	rddreg [dreg:$0x4]  }
0xfa: {  	s9 =	rddreg [dreg:$0x8];
	[sflag:s4] =	ssyncadd.s32 $0xFFFFC000  }
0xfb: {  	[spmem:s9], [sflag:s6] =	dma.local [hbm:s1], $0x2800  }
0xfc: {  	_ =	swait.ge [sflag:s4], $0x2800  }
0xfd: {  	[sflag:s4] =	ssyncset.done $0x0  }
0xfe: {  	[sflag:s4] =	ssyncadd.s32 $0xFFFFD800  }
0xff: {  	[bflag:$0x0] =	sbarrier.arrive $0xFFFF  }
0x100: {  	[spmem:s2] =	stream.indirect.scatter.add.f32 [tilespmem:s5], [sflag:$0x1], $0x80, s3, s7, $0xb8;
	[tilespmem:$0x19400] =	vst v63  }
0x101: {  	_ = 	snop  }
0x102: {  	[spmem:s2] =	stream.indirect.scatter.add.f32 [tilespmem:s5], [sflag:$0x1], $0x80, s7, s7, $0xb8;
	[tilespmem:$0x19400] =	vst v63  }
0x103: {  	s1 =	rddreg [dreg:$0x9]  }
0x104: {  	[spmem:s2] =	stream.indirect.scatter.add.f32 [tilespmem:s5], [sflag:$0x1], $0x80, s1, s7, $0xb8;
	[tilespmem:$0x19400] =	vst v63  }
0x105: {  	s9 =	rddreg [dreg:$0xa]  }
0x106: {  	[spmem:s2] =	stream.indirect.scatter.add.f32 [tilespmem:s5], [sflag:$0x1], $0x80, s9, s7, $0xb8;
	[tilespmem:$0x19400] =	vst v63  }
0x107: {  	s1 =	rddreg [dreg:$0xb]  }
0x108: {  	[spmem:s2] =	stream.indirect.scatter.add.f32 [tilespmem:s5], [sflag:$0x1], $0x80, s1, s7, $0xb8;
	[tilespmem:$0x19400] =	vst v63  }
0x109: {  	s9 =	rddreg [dreg:$0xc]  }
0x10a: {  	[spmem:s2] =	stream.indirect.scatter.add.f32 [tilespmem:s5], [sflag:$0x1], $0x80, s9, s7, $0xb8;
	[tilespmem:$0x19400] =	vst v63  }
0x10b: {  	s1 =	rddreg [dreg:$0xd]  }
0x10c: {  	[spmem:s2] =	stream.indirect.scatter.add.f32 [tilespmem:s5], [sflag:$0x1], $0x80, s1, s7, $0xb8;
	[tilespmem:$0x19400] =	vst v63  }
0x10d: {  	s9 =	rddreg [dreg:$0xe]  }
0x10e: {  	[spmem:s2] =	stream.indirect.scatter.add.f32 [tilespmem:s5], [sflag:$0x1], $0x80, s9, s7, $0xb8;
	[tilespmem:$0x19400] =	vst v63  }
0x10f: {  	_ =	swait.ge [sflag:s8], $0x4000  }
0x110: {  	[sflag:s8] =	ssyncset.done $0x0  }
0x111: {  	[sflag:s8] =	ssyncadd.s32 $0xFFFFC000  }
0x112: {  	_ =	swait.ge [sflag:s8], $0x4000  }
0x113: {  	[sflag:s8] =	ssyncset.done $0x0  }
0x114: {  	[sflag:s8] =	ssyncadd.s32 $0xFFFFC000  }
0x115: {  	_ =	swait.ge [sflag:s8], $0x4000  }
0x116: {  	[sflag:s8] =	ssyncset.done $0x0  }
0x117: {  	[sflag:s8] =	ssyncadd.s32 $0xFFFFC000  }
0x118: {  	_ =	swait.ge [sflag:s8], $0x4000  }
0x119: {  	[sflag:s8] =	ssyncset.done $0x0  }
0x11a: {  	[sflag:s8] =	ssyncadd.s32 $0xFFFFC000  }
0x11b: {  	_ =	swait.ge [sflag:s8], $0x4000  }
0x11c: {  	[sflag:s8] =	ssyncset.done $0x0  }
0x11d: {  	[sflag:s8] =	ssyncadd.s32 $0xFFFFC000  }
0x11e: {  	_ =	swait.ge [sflag:s8], $0x4000  }
0x11f: {  	[sflag:s8] =	ssyncset.done $0x0  }
0x120: {  	[sflag:s8] =	ssyncadd.s32 $0xFFFFC000  }
0x121: {  	_ =	swait.ge [sflag:s8], $0x4000  }
0x122: {  	[sflag:s8] =	ssyncset.done $0x0  }
0x123: {  	[sflag:s8] =	ssyncadd.s32 $0xFFFFC000  }
0x124: {  	_ =	swait.ge [sflag:s8], $0x4000  }
0x125: {  	[sflag:s8] =	ssyncset.done $0x0  }
0x126: {  	s1 =	rddreg [dreg:$0xf];
	[sflag:s8] =	ssyncadd.s32 $0xFFFFC000  }
0x127: {  	[spmem:s2] =	stream.indirect.scatter.add.f32 [tilespmem:s5], [sflag:$0x1], $0x80, s1, s7, $0xb8;
	[tilespmem:$0x19400] =	vst v63  }
0x128: {  	s9 =	rddreg [dreg:$0x10]  }
0x129: {  	[spmem:s2] =	stream.indirect.scatter.add.f32 [tilespmem:s5], [sflag:$0x1], $0x80, s9, s7, $0xb8;
	[tilespmem:$0x19400] =	vst v63  }
0x12a: {  	s1 =	rddreg [dreg:$0x11]  }
0x12b: {  	[spmem:s2] =	stream.indirect.scatter.add.f32 [tilespmem:s5], [sflag:$0x1], $0x80, s1, s7, $0xb8;
	[tilespmem:$0x19400] =	vst v63  }
0x12c: {  	s9 =	rddreg [dreg:$0x12]  }
0x12d: {  	[spmem:s2] =	stream.indirect.scatter.add.f32 [tilespmem:s5], [sflag:$0x1], $0x80, s9, s7, $0xb8;
	[tilespmem:$0x19400] =	vst v63  }
0x12e: {  	s1 =	rddreg [dreg:$0x13]  }
0x12f: {  	[spmem:s2] =	stream.indirect.scatter.add.f32 [tilespmem:s5], [sflag:$0x1], $0x80, s1, s7, $0xb8;
	[tilespmem:$0x19400] =	vst v63  }
0x130: {  	s9 =	rddreg [dreg:$0x14]  }
0x131: {  	[spmem:s2] =	stream.indirect.scatter.add.f32 [tilespmem:s5], [sflag:$0x1], $0x80, s9, s7, $0xb8;
	[tilespmem:$0x19400] =	vst v63  }
0x132: {  	s1 =	rddreg [dreg:$0x15]  }
0x133: {  	[spmem:s2] =	stream.indirect.scatter.add.f32 [tilespmem:s5], [sflag:$0x1], $0x80, s1, s7, $0xb8;
	[tilespmem:$0x19400] =	vst v63  }
0x134: {  	s9 =	rddreg [dreg:$0x16]  }
0x135: {  	[spmem:s2] =	stream.indirect.scatter.add.f32 [tilespmem:s5], [sflag:$0x1], $0x80, s9, s7, $0xb8;
	[tilespmem:$0x19400] =	vst v63  }
0x136: {  	_ =	swait.ge [sflag:s8], $0x4000  }
0x137: {  	[sflag:s8] =	ssyncset.done $0x0  }
0x138: {  	[sflag:s8] =	ssyncadd.s32 $0xFFFFC000  }
0x139: {  	_ =	swait.ge [sflag:s8], $0x4000  }
0x13a: {  	[sflag:s8] =	ssyncset.done $0x0  }
0x13b: {  	[sflag:s8] =	ssyncadd.s32 $0xFFFFC000  }
0x13c: {  	_ =	swait.ge [sflag:s8], $0x4000  }
0x13d: {  	[sflag:s8] =	ssyncset.done $0x0  }
0x13e: {  	[sflag:s8] =	ssyncadd.s32 $0xFFFFC000  }
0x13f: {  	_ =	swait.ge [sflag:s8], $0x4000  }
0x140: {  	[sflag:s8] =	ssyncset.done $0x0  }
0x141: {  	[sflag:s8] =	ssyncadd.s32 $0xFFFFC000  }
0x142: {  	_ =	swait.ge [sflag:s8], $0x4000  }
0x143: {  	[sflag:s8] =	ssyncset.done $0x0  }
0x144: {  	[sflag:s8] =	ssyncadd.s32 $0xFFFFC000  }
0x145: {  	_ =	swait.ge [sflag:s8], $0x4000  }
0x146: {  	[sflag:s8] =	ssyncset.done $0x0  }
0x147: {  	[sflag:s8] =	ssyncadd.s32 $0xFFFFC000  }
0x148: {  	_ =	swait.ge [sflag:s8], $0x4000  }
0x149: {  	[sflag:s8] =	ssyncset.done $0x0  }
0x14a: {  	[sflag:s8] =	ssyncadd.s32 $0xFFFFC000  }
0x14b: {  	_ =	swait.ge [sflag:s8], $0x4000  }
0x14c: {  	[sflag:s8] =	ssyncset.done $0x0  }
0x14d: {  	s1 =	rddreg [dreg:$0x17];
	[sflag:s8] =	ssyncadd.s32 $0xFFFFC000  }
0x14e: {  	[spmem:s2] =	stream.indirect.scatter.add.f32 [tilespmem:s5], [sflag:$0x1], $0x80, s1, s7, $0xb8;
	[tilespmem:$0x19400] =	vst v63  }
0x14f: {  	s9 =	rddreg [dreg:$0x18]  }
0x150: {  	[spmem:s2] =	stream.indirect.scatter.add.f32 [tilespmem:s5], [sflag:$0x1], $0x80, s9, s7, $0xb8;
	[tilespmem:$0x19400] =	vst v63  }
0x151: {  	s1 =	rddreg [dreg:$0x19]  }
0x152: {  	[spmem:s2] =	stream.indirect.scatter.add.f32 [tilespmem:s5], [sflag:$0x1], $0x80, s1, s7, $0xb8;
	[tilespmem:$0x19400] =	vst v63  }
0x153: {  	s9 =	simm.s32 $0x980  }
0x154: {  	[spmem:s2] =	stream.indirect.scatter.add.f32 [tilespmem:s5], [sflag:$0x1], $0x80, s9, s7, $0xb8;
	[tilespmem:$0x19400] =	vst v63  }
0x155: {  	_ = 	snop  }
0x156: {  	[spmem:s2] =	stream.indirect.scatter.add.f32 [tilespmem:s5], [sflag:$0x1], $0x80, s10, s7, $0xb8;
	[tilespmem:$0x19400] =	vst v63  }
0x157: {  	_ = 	snop  }
0x158: {  	[spmem:s2] =	stream.indirect.scatter.add.f32 [tilespmem:s5], [sflag:$0x1], $0x80, s11, s7, $0xb8;
	[tilespmem:$0x19400] =	vst v63  }
0x159: {  	_ = 	snop  }
0x15a: {  	[spmem:s2] =	stream.indirect.scatter.add.f32 [tilespmem:s5], [sflag:$0x1], $0x80, s12, s7, $0xb8;
	[tilespmem:$0x19400] =	vst v63  }
0x15b: {  	_ = 	snop  }
0x15c: {  	[spmem:s2] =	stream.indirect.scatter.add.f32 [tilespmem:s5], [sflag:$0x1], $0x80, s13, s7, $0xb8;
	[tilespmem:$0x19400] =	vst v63  }
0x15d: {  	_ =	swait.ge [sflag:s8], $0x4000  }
0x15e: {  	[sflag:s8] =	ssyncset.done $0x0  }
0x15f: {  	[sflag:s8] =	ssyncadd.s32 $0xFFFFC000  }
0x160: {  	_ =	swait.ge [sflag:s8], $0x4000  }
0x161: {  	[sflag:s8] =	ssyncset.done $0x0  }
0x162: {  	[sflag:s8] =	ssyncadd.s32 $0xFFFFC000  }
0x163: {  	_ =	swait.ge [sflag:s8], $0x4000  }
0x164: {  	[sflag:s8] =	ssyncset.done $0x0  }
0x165: {  	[sflag:s8] =	ssyncadd.s32 $0xFFFFC000  }
0x166: {  	_ =	swait.ge [sflag:s8], $0x4000  }
0x167: {  	[sflag:s8] =	ssyncset.done $0x0  }
0x168: {  	[sflag:s8] =	ssyncadd.s32 $0xFFFFC000  }
0x169: {  	_ =	swait.ge [sflag:s8], $0x4000  }
0x16a: {  	[sflag:s8] =	ssyncset.done $0x0  }
0x16b: {  	[sflag:s8] =	ssyncadd.s32 $0xFFFFC000  }
0x16c: {  	_ =	swait.ge [sflag:s8], $0x4000  }
0x16d: {  	[sflag:s8] =	ssyncset.done $0x0  }
0x16e: {  	[sflag:s8] =	ssyncadd.s32 $0xFFFFC000  }
0x16f: {  	_ =	swait.ge [sflag:s8], $0x4000  }
0x170: {  	[sflag:s8] =	ssyncset.done $0x0  }
0x171: {  	[sflag:s8] =	ssyncadd.s32 $0xFFFFC000  }
0x172: {  	_ =	swait.ge [sflag:s8], $0x4000  }
0x173: {  	[sflag:s8] =	ssyncset.done $0x0  }
0x174: {  	[sflag:s8] =	ssyncadd.s32 $0xFFFFC000  }
0x175: {  	[spmem:s2] =	stream.indirect.scatter.add.f32 [tilespmem:s5], [sflag:$0x1], $0x80, s14, s7, $0xb8;
	[tilespmem:$0x19400] =	vst v63  }
0x176: {  	_ = 	snop  }
0x177: {  	[spmem:s2] =	stream.indirect.scatter.add.f32 [tilespmem:s5], [sflag:$0x1], $0x80, s15, s7, $0xb8;
	[tilespmem:$0x19400] =	vst v63  }
0x178: {  	_ = 	snop  }
0x179: {  	[spmem:s2] =	stream.indirect.scatter.add.f32 [tilespmem:s5], [sflag:$0x1], $0x80, s16, s7, $0xb8;
	[tilespmem:$0x19400] =	vst v63  }
0x17a: {  	_ = 	snop  }
0x17b: {  	[spmem:s2] =	stream.indirect.scatter.add.f32 [tilespmem:s5], [sflag:$0x1], $0x80, s17, s7, $0xb8;
	[tilespmem:$0x19400] =	vst v63  }
0x17c: {  	_ = 	snop  }
0x17d: {  	[spmem:s2] =	stream.indirect.scatter.add.f32 [tilespmem:s5], [sflag:$0x1], $0x80, s18, s7, $0xb8;
	[tilespmem:$0x19400] =	vst v63  }
0x17e: {  	_ = 	snop  }
0x17f: {  	[spmem:s2] =	stream.indirect.scatter.add.f32 [tilespmem:s5], [sflag:$0x1], $0x80, s19, s7, $0xb8;
	[tilespmem:$0x19400] =	vst v63  }
0x180: {  	_ = 	snop  }
0x181: {  	[spmem:s2] =	stream.indirect.scatter.add.f32 [tilespmem:s5], [sflag:$0x1], $0x80, s20, s7, $0xb8;
	[tilespmem:$0x19400] =	vst v63  }
0x182: {  	_ = 	snop  }
0x183: {  	[spmem:s2] =	stream.indirect.scatter.add.f32 [tilespmem:s5], [sflag:$0x1], $0x80, s21, s7, $0xb8;
	[tilespmem:$0x19400] =	vst v63  }
0x184: {  	_ =	swait.ge [sflag:s8], $0x4000  }
0x185: {  	[sflag:s8] =	ssyncset.done $0x0  }
0x186: {  	[sflag:s8] =	ssyncadd.s32 $0xFFFFC000  }
0x187: {  	_ =	swait.ge [sflag:s8], $0x4000  }
0x188: {  	[sflag:s8] =	ssyncset.done $0x0  }
0x189: {  	[sflag:s8] =	ssyncadd.s32 $0xFFFFC000  }
0x18a: {  	_ =	swait.ge [sflag:s8], $0x4000  }
0x18b: {  	[sflag:s8] =	ssyncset.done $0x0  }
0x18c: {  	[sflag:s8] =	ssyncadd.s32 $0xFFFFC000  }
0x18d: {  	_ =	swait.ge [sflag:s8], $0x4000  }
0x18e: {  	[sflag:s8] =	ssyncset.done $0x0  }
0x18f: {  	[sflag:s8] =	ssyncadd.s32 $0xFFFFC000  }
0x190: {  	_ =	swait.ge [sflag:s8], $0x4000  }
0x191: {  	[sflag:s8] =	ssyncset.done $0x0  }
0x192: {  	[sflag:s8] =	ssyncadd.s32 $0xFFFFC000  }
0x193: {  	_ =	swait.ge [sflag:s8], $0x4000  }
0x194: {  	[sflag:s8] =	ssyncset.done $0x0  }
0x195: {  	[sflag:s8] =	ssyncadd.s32 $0xFFFFC000  }
0x196: {  	_ =	swait.ge [sflag:s8], $0x4000  }
0x197: {  	[sflag:s8] =	ssyncset.done $0x0  }
0x198: {  	[sflag:s8] =	ssyncadd.s32 $0xFFFFC000  }
0x199: {  	_ =	swait.ge [sflag:s8], $0x4000  }
0x19a: {  	[sflag:s8] =	ssyncset.done $0x0  }
0x19b: {  	[sflag:s8] =	ssyncadd.s32 $0xFFFFC000  }
0x19c: {  	[spmem:s2] =	stream.indirect.scatter.add.f32 [tilespmem:s5], [sflag:$0x1], $0x80, s22, s7, $0xb8;
	[tilespmem:$0x19400] =	vst v63  }
0x19d: {  	_ = 	snop  }
0x19e: {  	[spmem:s2] =	stream.indirect.scatter.add.f32 [tilespmem:s5], [sflag:$0x1], $0x80, s23, s7, $0xb8;
	[tilespmem:$0x19400] =	vst v63  }
0x19f: {  	_ = 	snop  }
0x1a0: {  	[spmem:s2] =	stream.indirect.scatter.add.f32 [tilespmem:s5], [sflag:$0x1], $0x80, s24, s7, $0xb8;
	[tilespmem:$0x19400] =	vst v63  }
0x1a1: {  	_ = 	snop  }
0x1a2: {  	[spmem:s2] =	stream.indirect.scatter.add.f32 [tilespmem:s5], [sflag:$0x1], $0x80, s25, s7, $0xb8;
	[tilespmem:$0x19400] =	vst v63  }
0x1a3: {  	_ = 	snop  }
0x1a4: {  	[spmem:s2] =	stream.indirect.scatter.add.f32 [tilespmem:s5], [sflag:$0x1], $0x80, s26, s7, $0xb8;
	[tilespmem:$0x19400] =	vst v63  }
0x1a5: {  	_ = 	snop  }
0x1a6: {  	[spmem:s2] =	stream.indirect.scatter.add.f32 [tilespmem:s5], [sflag:$0x1], $0x80, s28, s7, $0xb8;
	[tilespmem:$0x19400] =	vst v63  }
0x1a7: {  	_ = 	snop  }
0x1a8: {  	[spmem:s2] =	stream.indirect.scatter.add.f32 [tilespmem:s5], [sflag:$0x1], $0x80, s29, s7, $0xb8;
	[tilespmem:$0x19400] =	vst v63  }
0x1a9: {  	_ = 	snop  }
0x1aa: {  	[spmem:s2] =	stream.indirect.scatter.add.f32 [tilespmem:s5], [sflag:$0x1], $0x80, s30, s7, $0xb8;
	[tilespmem:$0x19400] =	vst v63  }
0x1ab: {  	_ =	swait.ge [sflag:s8], $0x4000  }
0x1ac: {  	[sflag:s8] =	ssyncset.done $0x0  }
0x1ad: {  	[sflag:s8] =	ssyncadd.s32 $0xFFFFC000  }
0x1ae: {  	_ =	swait.ge [sflag:s8], $0x4000  }
0x1af: {  	[sflag:s8] =	ssyncset.done $0x0  }
0x1b0: {  	[sflag:s8] =	ssyncadd.s32 $0xFFFFC000  }
0x1b1: {  	_ =	swait.ge [sflag:s8], $0x4000  }
0x1b2: {  	[sflag:s8] =	ssyncset.done $0x0  }
0x1b3: {  	[sflag:s8] =	ssyncadd.s32 $0xFFFFC000  }
0x1b4: {  	_ =	swait.ge [sflag:s8], $0x4000  }
0x1b5: {  	[sflag:s8] =	ssyncset.done $0x0  }
0x1b6: {  	[sflag:s8] =	ssyncadd.s32 $0xFFFFC000  }
0x1b7: {  	_ =	swait.ge [sflag:s8], $0x4000  }
0x1b8: {  	[sflag:s8] =	ssyncset.done $0x0  }
0x1b9: {  	[sflag:s8] =	ssyncadd.s32 $0xFFFFC000  }
0x1ba: {  	_ =	swait.ge [sflag:s8], $0x4000  }
0x1bb: {  	[sflag:s8] =	ssyncset.done $0x0  }
0x1bc: {  	[sflag:s8] =	ssyncadd.s32 $0xFFFFC000  }
0x1bd: {  	_ =	swait.ge [sflag:s8], $0x4000  }
0x1be: {  	[sflag:s8] =	ssyncset.done $0x0  }
0x1bf: {  	[sflag:s8] =	ssyncadd.s32 $0xFFFFC000  }
0x1c0: {  	p0 =	sne.s32 s0, $0x1;
	_ =	swait.ge [sflag:s8], $0x4000  }
.Ltmp1:
0x1c1: {  	[sflag:s8] =	ssyncset.done $0x0;
	(pc) =	sbr.rel @p0 .LBB2_1-.Ltmp1, $4  }
0x1c2: {  	[sflag:s8] =	ssyncadd.s32 $0xFFFFC000  }
0x1c3: {  	[bflag:$0x0] =	sbarrier.arrive $0xFFFF  }
0x1c4: {  	s0 =	sadd.s32 $0xFFFFFFFF, s0;
	s9 =	rddreg [dreg:$0x7]  }
0x1c5: {  	[hbm:s9], [sflag:s6] =	dma.local [spmem:s31], $0x2780  }
.LBB2_2:
0x1c6: {  	_ =	swait.ge [sflag:s4], $0x2780  }
0x1c7: {  	[sflag:s4] =	ssyncset.done $0x0  }
0x1c8: {  	[sflag:s4] =	ssyncadd.s32 $0xFFFFD880  }
0x1c9: {  	_ =	sfence.sel $0x180000  }
0x1ca: {  	[bflag:$0x0] =	sbarrier.arrive $0xFFFF  }
0x1cb: {  	_ =	strace $0x90000047  }
0x1cc: {  	s0 =	stileid.u32;
	[bflag:$0x2] =	sbarrier.arrive $0xFFFF  }
0x1cd: {  	p0 =	sne.s32 s0, $0x0;
	s0 =	rddreg [dreg:$0x3]  }
0x1ce: {  	s0 =	sadd.s32 @!p0 $0x100000, s0  }
0x1cf: {  	[sflag:s0] =	ssyncadd.tile.s32 @!p0 $0x1;
	_ =	shalt  }
.Lfunc_end2:
_tile_overlayer_lowered:
.L_overlay_start_2:
0x1d0: {  	(tag) =	ssettag $0x2  }
0x1d1: {  	s0 =	rddreg [dreg:$0x0];
	s2 =	stileid.u32  }
0x1d2: {  	s1 =	rddreg [dreg:$0x1];
	p0 =	sne.s32 s2, $0x0  }
0x1d3: {  	s3 =	rddreg [dreg:$0x2];
	[bflag:$0x3] =	sbarrier.arrive $0xFFFF;
	s2 =	simm.s32 @!p0 $0x1C02  }
0x1d4: {  	[timem:s3], [sflag:s2] =	dma.local @!p0 [hbm:s0], s1  }
0x1d5: {  	s0 =	simm.s32 @!p0 $0x2  }
0x1d6: {  	_ =	swait.ge @!p0 [sflag:s0], s1  }
0x1d7: {  	s1 =	ssub.s32 @!p0 $0x0, s1;
	[sflag:s0] =	ssyncset.done @!p0 $0x0  }
0x1d8: {  	[sflag:s0] =	ssyncadd.s32 @!p0 s1  }
0x1d9: {  	[bflag:$0x3] =	sbarrier.arrive $0xFFFF  }
0x1da: {  	_ =	shalt  }

</sc_bundles>
